<compile_context>
chip_gen: v7x
topology: tpu7x:2x2x1
jax: 0.10.2.dev20260603
libtpu: 0.0.44.dev20260713+nightly
codegen_flags: <defaults>
</compile_context>

<pallas_src>
import functools

import jax
import jax.numpy as jnp
from jax import lax
from jax.experimental import pallas as pl
from jax.experimental.pallas import tpu as pltpu
from jax.experimental.pallas import tpu_sc as plsc

N = 10000
E = 320000
D = 128
H = 128
G = 64
C = 10

NP = 10240
CHUNK = 128
EPC = 2560
EP = EPC * CHUNK
NW = 32
KW = EPC // NW
ROWS_PER_TILE = NP // 16
DEGW = 128

BN = 1024
GRID = NP // BN



_MESH = plsc.VectorSubcoreMesh(core_axis_name="c", subcore_axis_name="s")


@functools.partial(
    pl.kernel,
    out_type=jax.ShapeDtypeStruct((2, NP, D), jnp.float32),
    mesh=_MESH,
    scratch_types=[
        pltpu.VMEM((KW, CHUNK), jnp.int32),
        pltpu.VMEM((KW, CHUNK), jnp.int32),
        pltpu.VMEM((CHUNK, D), jnp.float32),
        pltpu.VMEM_SHARED((NP, D), jnp.float32),
        pltpu.SemaphoreType.DMA,
    ],
)
def _sc_agg(x_hbm, src_hbm, dst_hbm, zeros_hbm, out_hbm,
            src_v, dst_v, rows_v, acc_sh, sem):
    cid = lax.axis_index("c")
    sid = lax.axis_index("s")
    wid = sid * 2 + cid
    pltpu.sync_copy(zeros_hbm.at[pl.ds(sid * ROWS_PER_TILE, ROWS_PER_TILE)],
                    acc_sh.at[pl.ds(sid * ROWS_PER_TILE, ROWS_PER_TILE)])
    pltpu.sync_copy(src_hbm.at[pl.ds(wid * KW, KW)], src_v)
    pltpu.sync_copy(dst_hbm.at[pl.ds(wid * KW, KW)], dst_v)
    plsc.subcore_barrier()

    def body(j, carry):
        pltpu.async_copy(x_hbm.at[src_v.at[j]], rows_v, sem).wait()
        pltpu.sync_copy(rows_v, acc_sh.at[dst_v.at[j]], add=True)
        return carry

    lax.fori_loop(0, KW, body, 0)
    plsc.subcore_barrier()
    pltpu.sync_copy(acc_sh.at[pl.ds(sid * ROWS_PER_TILE, ROWS_PER_TILE)],
                    out_hbm.at[cid, pl.ds(sid * ROWS_PER_TILE, ROWS_PER_TILE)])


@functools.partial(
    pl.kernel,
    out_type=jax.ShapeDtypeStruct((2, NP, DEGW), jnp.float32),
    mesh=_MESH,
    scratch_types=[
        pltpu.VMEM((KW, CHUNK), jnp.int32),
        pltpu.VMEM((CHUNK, DEGW), jnp.float32),
        pltpu.VMEM_SHARED((NP, DEGW), jnp.float32),
    ],
)
def _sc_deg(dst_hbm, ones_hbm, zeros_hbm, out_hbm, dst_v, ones_v, acc_sh):
    cid = lax.axis_index("c")
    sid = lax.axis_index("s")
    wid = sid * 2 + cid
    pltpu.sync_copy(zeros_hbm.at[pl.ds(sid * ROWS_PER_TILE, ROWS_PER_TILE)],
                    acc_sh.at[pl.ds(sid * ROWS_PER_TILE, ROWS_PER_TILE)])
    pltpu.sync_copy(dst_hbm.at[pl.ds(wid * KW, KW)], dst_v)
    pltpu.sync_copy(ones_hbm, ones_v)
    plsc.subcore_barrier()

    def body(j, carry):
        pltpu.sync_copy(ones_v, acc_sh.at[dst_v.at[j]], add=True)
        return carry

    lax.fori_loop(0, KW, body, 0)
    plsc.subcore_barrier()
    pltpu.sync_copy(acc_sh.at[pl.ds(sid * ROWS_PER_TILE, ROWS_PER_TILE)],
                    out_hbm.at[cid, pl.ds(sid * ROWS_PER_TILE, ROWS_PER_TILE)])



def _dense_mean_body(agg_ref, deg_ref, x_ref, wl_ref, wr_ref, b_ref, o_ref):
    agg = agg_ref[0] + agg_ref[1]
    deg = deg_ref[0] + deg_ref[1]
    mean = agg / jnp.maximum(deg, 1.0)
    acc = jnp.dot(mean, wl_ref[...], preferred_element_type=jnp.float32)
    acc = acc + jnp.dot(x_ref[...], wr_ref[...], preferred_element_type=jnp.float32)
    o_ref[...] = jnp.maximum(acc + b_ref[...], 0.0)


def _sage_dense(agg_p, deg_p, x, Wl, Wr, b):
    return pl.pallas_call(
        _dense_mean_body,
        grid=(GRID,),
        in_specs=[
            pl.BlockSpec((2, BN, D), lambda i: (0, i, 0)),
            pl.BlockSpec((2, BN, 1), lambda i: (0, i, 0)),
            pl.BlockSpec((BN, D), lambda i: (i, 0)),
            pl.BlockSpec((D, H), lambda i: (0, 0)),
            pl.BlockSpec((D, H), lambda i: (0, 0)),
            pl.BlockSpec((1, H), lambda i: (0, 0)),
        ],
        out_specs=pl.BlockSpec((BN, H), lambda i: (i, 0)),
        out_shape=jax.ShapeDtypeStruct((NP, H), jnp.float32),
    )(agg_p, deg_p, x, Wl, Wr, b)


def _dense2_body(a_ref, b_ref, wa_ref, wb_ref, bias_ref, o_ref):
    acc = jnp.dot(a_ref[...], wa_ref[...], preferred_element_type=jnp.float32)
    acc = acc + jnp.dot(b_ref[...], wb_ref[...], preferred_element_type=jnp.float32)
    o_ref[...] = jnp.maximum(acc + bias_ref[...], 0.0)


def _jk_dense(h1, h2, Wa, Wb, b):
    return pl.pallas_call(
        _dense2_body,
        grid=(GRID,),
        in_specs=[
            pl.BlockSpec((BN, H), lambda i: (i, 0)),
            pl.BlockSpec((BN, H), lambda i: (i, 0)),
            pl.BlockSpec((H, H), lambda i: (0, 0)),
            pl.BlockSpec((H, H), lambda i: (0, 0)),
            pl.BlockSpec((1, H), lambda i: (0, 0)),
        ],
        out_specs=pl.BlockSpec((BN, H), lambda i: (i, 0)),
        out_shape=jax.ShapeDtypeStruct((NP, H), jnp.float32),
    )(h1, h2, Wa, Wb, b)


def _sage_jk_pool_body(agg_ref, deg_ref, h1_ref, wl_ref, wr_ref, b_ref,
                       w1_ref, w2_ref, bj_ref, batch_ref, hb_ref, p_ref):
    agg = agg_ref[0] + agg_ref[1]
    deg = deg_ref[0] + deg_ref[1]
    mean = agg / jnp.maximum(deg, 1.0)
    h1 = h1_ref[...]
    acc = jnp.dot(mean, wl_ref[...], preferred_element_type=jnp.float32)
    acc = acc + jnp.dot(h1, wr_ref[...], preferred_element_type=jnp.float32)
    h2 = jnp.maximum(acc + b_ref[...], 0.0)
    acc2 = jnp.dot(h1, w1_ref[...], preferred_element_type=jnp.float32)
    acc2 = acc2 + jnp.dot(h2, w2_ref[...], preferred_element_type=jnp.float32)
    hb = jnp.maximum(acc2 + bj_ref[...], 0.0)
    hb_ref[...] = hb

    @pl.when(pl.program_id(0) == 0)
    def _():
        p_ref[...] = jnp.zeros_like(p_ref)

    seg = batch_ref[...]
    iota = lax.broadcasted_iota(jnp.int32, (BN, G), 1)
    mask = (seg == iota).astype(jnp.float32)
    p_ref[...] += lax.dot_general(mask, hb, (((0,), (0,)), ((), ())),
                                  preferred_element_type=jnp.float32)


def _sage_jk_pool(agg_p, deg_p, h1, Wl, Wr, b, Wj1, Wj2, bj, batch_p):
    return pl.pallas_call(
        _sage_jk_pool_body,
        grid=(GRID,),
        in_specs=[
            pl.BlockSpec((2, BN, D), lambda i: (0, i, 0)),
            pl.BlockSpec((2, BN, 1), lambda i: (0, i, 0)),
            pl.BlockSpec((BN, D), lambda i: (i, 0)),
            pl.BlockSpec((D, H), lambda i: (0, 0)),
            pl.BlockSpec((D, H), lambda i: (0, 0)),
            pl.BlockSpec((1, H), lambda i: (0, 0)),
            pl.BlockSpec((H, H), lambda i: (0, 0)),
            pl.BlockSpec((H, H), lambda i: (0, 0)),
            pl.BlockSpec((1, H), lambda i: (0, 0)),
            pl.BlockSpec((BN, 1), lambda i: (i, 0)),
        ],
        out_specs=[
            pl.BlockSpec((BN, H), lambda i: (i, 0)),
            pl.BlockSpec((G, H), lambda i: (0, 0)),
        ],
        out_shape=[
            jax.ShapeDtypeStruct((NP, H), jnp.float32),
            jax.ShapeDtypeStruct((G, H), jnp.float32),
        ],
    )(agg_p, deg_p, h1, Wl, Wr, b, Wj1, Wj2, bj, batch_p)


def _pool_body(b_ref, h_ref, o_ref):
    @pl.when(pl.program_id(0) == 0)
    def _():
        o_ref[...] = jnp.zeros_like(o_ref)

    seg = b_ref[...]
    iota = lax.broadcasted_iota(jnp.int32, (BN, G), 1)
    mask = (seg == iota).astype(jnp.float32)
    o_ref[...] += lax.dot_general(mask, h_ref[...], (((0,), (0,)), ((), ())),
                                  preferred_element_type=jnp.float32)


def _pool(batch_p, h):
    return pl.pallas_call(
        _pool_body,
        grid=(GRID,),
        in_specs=[
            pl.BlockSpec((BN, 1), lambda i: (i, 0)),
            pl.BlockSpec((BN, H), lambda i: (i, 0)),
        ],
        out_specs=pl.BlockSpec((G, H), lambda i: (0, 0)),
        out_shape=jax.ShapeDtypeStruct((G, H), jnp.float32),
    )(batch_p, h)


def _head_body(z_ref, g_ref, be_ref, w1_ref, b1_ref, w2_ref, b2_ref, o_ref):
    z = z_ref[...]
    mu = jnp.mean(z, axis=0, keepdims=True)
    var = jnp.mean((z - mu) ** 2, axis=0, keepdims=True)
    zn = (z - mu) / jnp.sqrt(var + 1e-5) * g_ref[...] + be_ref[...]
    a = jnp.maximum(jnp.dot(zn, w1_ref[...], preferred_element_type=jnp.float32)
                    + b1_ref[...], 0.0)
    o = jnp.dot(a, w2_ref[...], preferred_element_type=jnp.float32) + b2_ref[...]
    o = o - jnp.max(o, axis=1, keepdims=True)
    e = jnp.exp(o)
    o_ref[...] = e / jnp.sum(e, axis=1, keepdims=True)


def _head(z, gamma, beta, W1, b1, W2, b2):
    return pl.pallas_call(
        _head_body,
        out_shape=jax.ShapeDtypeStruct((G, C), jnp.float32),
    )(z, gamma, beta, W1, b1, W2, b2)



def kernel(x, edge_index, batch,
           b1_s1_Wl, b1_s1_bl, b1_s1_Wr, b1_s1_br,
           b1_s2_Wl, b1_s2_bl, b1_s2_Wr, b1_s2_br,
           b1_lin_W, b1_lin_b,
           b2_s1_Wl, b2_s1_bl, b2_s1_Wr, b2_s1_br,
           b2_s2_Wl, b2_s2_bl, b2_s2_Wr, b2_s2_br,
           b2_lin_W, b2_lin_b,
           bn_gamma, bn_beta,
           lin1_W, lin1_b, lin2_W, lin2_b):
    src = edge_index[0]
    dst = edge_index[1]
    pad = EP - E
    src_p = jnp.concatenate([src, jnp.zeros((pad,), jnp.int32)]).reshape(EPC, CHUNK)
    dst_p = jnp.concatenate([dst, jnp.full((pad,), N, jnp.int32)]).reshape(EPC, CHUNK)
    x_pad = jnp.zeros((NP, D), jnp.float32).at[:N].set(x)
    zeros_nd = jnp.zeros((NP, D), jnp.float32)
    ones_cw = jnp.ones((CHUNK, DEGW), jnp.float32)
    batch_p = jnp.concatenate([batch, jnp.full((NP - N,), G, jnp.int32)]).reshape(NP, 1)

    deg_p = _sc_deg(dst_p, ones_cw, zeros_nd)[:, :, 0:1]

    def block(h_in, Wl1, bl1, Wr1, br1, Wl2, bl2, Wr2, br2, linW, linb):
        agg1 = _sc_agg(h_in, src_p, dst_p, zeros_nd)
        h1 = _sage_dense(agg1, deg_p, h_in, Wl1, Wr1, (bl1 + br1).reshape(1, H))
        agg2 = _sc_agg(h1, src_p, dst_p, zeros_nd)
        return _sage_jk_pool(agg2, deg_p, h1, Wl2, Wr2,
                             (bl2 + br2).reshape(1, H),
                             linW[:H], linW[H:], linb.reshape(1, H), batch_p)

    hb1, x1 = block(x_pad, b1_s1_Wl, b1_s1_bl, b1_s1_Wr, b1_s1_br,
                    b1_s2_Wl, b1_s2_bl, b1_s2_Wr, b1_s2_br, b1_lin_W, b1_lin_b)
    hb2, x2 = block(hb1, b2_s1_Wl, b2_s1_bl, b2_s1_Wr, b2_s1_br,
                    b2_s2_Wl, b2_s2_bl, b2_s2_Wr, b2_s2_br, b2_lin_W, b2_lin_b)

    z = jnp.concatenate([x1, x2], axis=1)
    return _head(z, bn_gamma.reshape(1, 2 * H), bn_beta.reshape(1, 2 * H),
                 lin1_W, lin1_b.reshape(1, H), lin2_W, lin2_b.reshape(1, C))

# --- scband reference (transcript-rebuilt; emitter-appended) ---
"""Pipeline reference for scband-baseline-model-80607946211554 (READ-ONLY COPY).

The authoritative reference and input builder live on the scoring server;
editing this copy changes nothing except your own understanding.
"""

import jax, jax.numpy as jnp
import numpy as np

N = 10000
E = 320000
D = 128
H = 128
G = 64
C = 10


def _init(key, shape, fan_in):
    return jax.random.normal(key, shape, dtype=jnp.float32) * (1.0 / np.sqrt(fan_in))


def setup_inputs(seed: int = 0):
    key = jax.random.key(seed)
    ks = jax.random.split(key, 32)
    inp = {}
    inp["x"] = jax.random.normal(ks[0], (N, D), dtype=jnp.float32)
    inp["edge_index"] = jax.random.randint(ks[1], (2, E), 0, N, dtype=jnp.int32)
    inp["batch"] = jnp.sort(jax.random.randint(ks[2], (N,), 0, G, dtype=jnp.int32))
    i = 3
    for b, ind in [(1, D), (2, H)]:
        inp[f"b{b}_s1_Wl"] = _init(ks[i], (ind, H), ind); i += 1
        inp[f"b{b}_s1_bl"] = jnp.zeros((H,), jnp.float32)
        inp[f"b{b}_s1_Wr"] = _init(ks[i], (ind, H), ind); i += 1
        inp[f"b{b}_s1_br"] = jnp.zeros((H,), jnp.float32)
        inp[f"b{b}_s2_Wl"] = _init(ks[i], (H, H), H); i += 1
        inp[f"b{b}_s2_bl"] = jnp.zeros((H,), jnp.float32)
        inp[f"b{b}_s2_Wr"] = _init(ks[i], (H, H), H); i += 1
        inp[f"b{b}_s2_br"] = jnp.zeros((H,), jnp.float32)
        inp[f"b{b}_lin_W"] = _init(ks[i], (2 * H, H), 2 * H); i += 1
        inp[f"b{b}_lin_b"] = jnp.zeros((H,), jnp.float32)
    inp["bn_gamma"] = jnp.ones((2 * H,), jnp.float32)
    inp["bn_beta"] = jnp.zeros((2 * H,), jnp.float32)
    inp["lin1_W"] = _init(ks[i], (2 * H, H), 2 * H); i += 1
    inp["lin1_b"] = jnp.zeros((H,), jnp.float32)
    inp["lin2_W"] = _init(ks[i], (H, C), H); i += 1
    inp["lin2_b"] = jnp.zeros((C,), jnp.float32)
    return inp


def _sage(x, src, dst, Wl, bl, Wr, br):
    # PyG SAGEConv: lin_l(mean_aggr(x_j)) + lin_r(x)
    msgs = x[src]
    agg = jax.ops.segment_sum(msgs, dst, num_segments=N)
    deg = jax.ops.segment_sum(jnp.ones((E,), jnp.float32), dst, num_segments=N)
    mean = agg / jnp.clip(deg, 1.0)[:, None]
    return mean @ Wl + bl + x @ Wr + br


def _block(x, src, dst, p, b):
    h1 = jax.nn.relu(_sage(x, src, dst, p[f"b{b}_s1_Wl"], p[f"b{b}_s1_bl"], p[f"b{b}_s1_Wr"], p[f"b{b}_s1_br"]))
    h2 = jax.nn.relu(_sage(h1, src, dst, p[f"b{b}_s2_Wl"], p[f"b{b}_s2_bl"], p[f"b{b}_s2_Wr"], p[f"b{b}_s2_br"]))
    jk = jnp.concatenate([h1, h2], axis=1)  # JumpingKnowledge mode='cat'
    return jax.nn.relu(jk @ p[f"b{b}_lin_W"] + p[f"b{b}_lin_b"])


def reference(x, edge_index, batch,
              b1_s1_Wl, b1_s1_bl, b1_s1_Wr, b1_s1_br,
              b1_s2_Wl, b1_s2_bl, b1_s2_Wr, b1_s2_br,
              b1_lin_W, b1_lin_b,
              b2_s1_Wl, b2_s1_bl, b2_s1_Wr, b2_s1_br,
              b2_s2_Wl, b2_s2_bl, b2_s2_Wr, b2_s2_br,
              b2_lin_W, b2_lin_b,
              bn_gamma, bn_beta,
              lin1_W, lin1_b, lin2_W, lin2_b):
    p = {
        "b1_s1_Wl": b1_s1_Wl, "b1_s1_bl": b1_s1_bl, "b1_s1_Wr": b1_s1_Wr, "b1_s1_br": b1_s1_br,
        "b1_s2_Wl": b1_s2_Wl, "b1_s2_bl": b1_s2_bl, "b1_s2_Wr": b1_s2_Wr, "b1_s2_br": b1_s2_br,
        "b1_lin_W": b1_lin_W, "b1_lin_b": b1_lin_b,
        "b2_s1_Wl": b2_s1_Wl, "b2_s1_bl": b2_s1_bl, "b2_s1_Wr": b2_s1_Wr, "b2_s1_br": b2_s1_br,
        "b2_s2_Wl": b2_s2_Wl, "b2_s2_bl": b2_s2_bl, "b2_s2_Wr": b2_s2_Wr, "b2_s2_br": b2_s2_br,
        "b2_lin_W": b2_lin_W, "b2_lin_b": b2_lin_b,
        "bn_gamma": bn_gamma, "bn_beta": bn_beta,
        "lin1_W": lin1_W, "lin1_b": lin1_b, "lin2_W": lin2_W, "lin2_b": lin2_b,
    }
    src = edge_index[0]
    dst = edge_index[1]
    h = _block(x, src, dst, p, 1)
    x1 = jax.ops.segment_sum(h, batch, num_segments=G)  # global_add_pool
    h = _block(h, src, dst, p, 2)
    x2 = jax.ops.segment_sum(h, batch, num_segments=G)
    z = jnp.concatenate([x1, x2], axis=1)
    mu = jnp.mean(z, axis=0)
    var = jnp.var(z, axis=0)
    z = (z - mu) / jnp.sqrt(var + 1e-5) * p["bn_gamma"] + p["bn_beta"]
    z = jax.nn.relu(z @ p["lin1_W"] + p["lin1_b"])
    # dropout is identity in eval mode
    z = z @ p["lin2_W"] + p["lin2_b"]
    return jax.nn.softmax(z, axis=1)

if __name__ == "__main__":
    import jax
    _d = setup_inputs()
    print(jax.jit(kernel)(*tuple(_d.values())))

</pallas_src>

<mosaic_0001>
#map = affine_map<(d0, d1) -> (0, 0)>
#map1 = affine_map<(d0, d1) -> (0, 0, 0)>
module attributes {stable_mosaic.version = 14 : i64} {
  func.func @_sc_agg(%arg0: i32, %arg1: i32, %arg2: memref<10240x128xf32, #tpu.memory_space<hbm>>, %arg3: memref<2560x128xi32, #tpu.memory_space<hbm>>, %arg4: memref<2560x128xi32, #tpu.memory_space<hbm>>, %arg5: memref<10240x128xf32, #tpu.memory_space<hbm>>, %arg6: memref<2x10240x128xf32, #tpu.memory_space<hbm>>, %arg7: memref<80x128xi32, #tpu.memory_space<vmem>>, %arg8: memref<80x128xi32, #tpu.memory_space<vmem>>, %arg9: memref<128x128xf32, #tpu.memory_space<vmem>>, %arg10: memref<10240x128xf32, #tpu.memory_space<vmem_shared>>, %arg11: memref<!tpu.dma_semaphore, #tpu.memory_space<semaphore_mem>>) attributes {dimension_semantics = [#tpu.dimension_semantics<core_parallel>, #tpu.dimension_semantics<subcore_parallel>], iteration_bounds = array<i64: 2, 16>, scalar_prefetch = 0 : i64, scratch_operands = 5 : i64, tpu.core_type = #tpu.core_type<sc_vector_subcore>, window_params = [{transform_indices = #map}, {transform_indices = #map}, {transform_indices = #map}, {transform_indices = #map}, {transform_indices = #map1}]} {
    %mul3A = arith.constant 2 : i32
    %mul3A_0 = arith.muli %arg1, %mul3A : i32
    %add3A = arith.addi %mul3A_0, %arg0 : i32
    %mul3A_1 = arith.constant 640 : i32
    %mul3A_2 = arith.muli %arg1, %mul3A_1 : i32
    %mul3A_3 = arith.constant 640 : i32
    %mul3A_4 = arith.muli %arg1, %mul3A_3 : i32
    "tpu.region"() ({
      %run_scoped3A = tpu.sem_alloc : memref<!tpu.dma_semaphore, #tpu.memory_space<semaphore_mem>>
      %dma_start3A = arith.constant 0 : i32
      %dma_start3A_19 = tpu.memref_slice %arg10[%mul3A_4, %dma_start3A] : memref<10240x128xf32, #tpu.memory_space<vmem_shared>> -> memref<640x128xf32, #tpu.memory_space<vmem_shared>>
      %dma_start3A_20 = arith.constant 0 : i32
      %dma_start3A_21 = tpu.memref_slice %arg5[%mul3A_2, %dma_start3A_20] : memref<10240x128xf32, #tpu.memory_space<hbm>> -> memref<640x128xf32, #tpu.memory_space<hbm>>
      tpu.enqueue_dma source(%dma_start3A_21 : memref<640x128xf32, #tpu.memory_space<hbm>>) target(%dma_start3A_19 : memref<640x128xf32, #tpu.memory_space<vmem_shared>>) target_semaphore(%run_scoped3A : memref<!tpu.dma_semaphore, #tpu.memory_space<semaphore_mem>>)
      %dma_wait3A = arith.constant 0 : i32
      %dma_wait3A_22 = tpu.memref_slice %arg10[%mul3A_4, %dma_wait3A] : memref<10240x128xf32, #tpu.memory_space<vmem_shared>> -> memref<640x128xf32, #tpu.memory_space<vmem_shared>>
      %dma_wait3A_23 = arith.constant 0 : i32
      %dma_wait3A_24 = tpu.memref_slice %arg5[%mul3A_2, %dma_wait3A_23] : memref<10240x128xf32, #tpu.memory_space<hbm>> -> memref<640x128xf32, #tpu.memory_space<hbm>>
      tpu.wait_dma2 semaphore(%run_scoped3A : memref<!tpu.dma_semaphore, #tpu.memory_space<semaphore_mem>>) src(%dma_wait3A_24 : memref<640x128xf32, #tpu.memory_space<hbm>>) dst(%dma_wait3A_22 : memref<640x128xf32, #tpu.memory_space<vmem_shared>>)
      tpu.yield
    }) : () -> ()
    %mul3A_5 = arith.constant 80 : i32
    %mul3A_6 = arith.muli %add3A, %mul3A_5 : i32
    "tpu.region"() ({
      %run_scoped3A = tpu.sem_alloc : memref<!tpu.dma_semaphore, #tpu.memory_space<semaphore_mem>>
      %dma_start3A = arith.constant 0 : i32
      %dma_start3A_19 = tpu.memref_slice %arg3[%mul3A_6, %dma_start3A] : memref<2560x128xi32, #tpu.memory_space<hbm>> -> memref<80x128xi32, #tpu.memory_space<hbm>>
      %dma_start3A_20 = arith.constant 0 : i32
      %dma_start3A_21 = tpu.memref_slice %arg3[%mul3A_6, %dma_start3A_20] : memref<2560x128xi32, #tpu.memory_space<hbm>> -> memref<80x128xi32, #tpu.memory_space<hbm>>
      tpu.enqueue_dma source(%dma_start3A_21 : memref<80x128xi32, #tpu.memory_space<hbm>>) target(%arg7 : memref<80x128xi32, #tpu.memory_space<vmem>>) target_semaphore(%run_scoped3A : memref<!tpu.dma_semaphore, #tpu.memory_space<semaphore_mem>>)
      %dma_wait3A = arith.constant 0 : i32
      %dma_wait3A_22 = tpu.memref_slice %arg3[%mul3A_6, %dma_wait3A] : memref<2560x128xi32, #tpu.memory_space<hbm>> -> memref<80x128xi32, #tpu.memory_space<hbm>>
      %dma_wait3A_23 = arith.constant 0 : i32
      %dma_wait3A_24 = tpu.memref_slice %arg3[%mul3A_6, %dma_wait3A_23] : memref<2560x128xi32, #tpu.memory_space<hbm>> -> memref<80x128xi32, #tpu.memory_space<hbm>>
      tpu.wait_dma2 semaphore(%run_scoped3A : memref<!tpu.dma_semaphore, #tpu.memory_space<semaphore_mem>>) src(%dma_wait3A_24 : memref<80x128xi32, #tpu.memory_space<hbm>>) dst(%arg7 : memref<80x128xi32, #tpu.memory_space<vmem>>)
      tpu.yield
    }) : () -> ()
    %mul3A_7 = arith.constant 80 : i32
    %mul3A_8 = arith.muli %add3A, %mul3A_7 : i32
    "tpu.region"() ({
      %run_scoped3A = tpu.sem_alloc : memref<!tpu.dma_semaphore, #tpu.memory_space<semaphore_mem>>
      %dma_start3A = arith.constant 0 : i32
      %dma_start3A_19 = tpu.memref_slice %arg4[%mul3A_8, %dma_start3A] : memref<2560x128xi32, #tpu.memory_space<hbm>> -> memref<80x128xi32, #tpu.memory_space<hbm>>
      %dma_start3A_20 = arith.constant 0 : i32
      %dma_start3A_21 = tpu.memref_slice %arg4[%mul3A_8, %dma_start3A_20] : memref<2560x128xi32, #tpu.memory_space<hbm>> -> memref<80x128xi32, #tpu.memory_space<hbm>>
      tpu.enqueue_dma source(%dma_start3A_21 : memref<80x128xi32, #tpu.memory_space<hbm>>) target(%arg8 : memref<80x128xi32, #tpu.memory_space<vmem>>) target_semaphore(%run_scoped3A : memref<!tpu.dma_semaphore, #tpu.memory_space<semaphore_mem>>)
      %dma_wait3A = arith.constant 0 : i32
      %dma_wait3A_22 = tpu.memref_slice %arg4[%mul3A_8, %dma_wait3A] : memref<2560x128xi32, #tpu.memory_space<hbm>> -> memref<80x128xi32, #tpu.memory_space<hbm>>
      %dma_wait3A_23 = arith.constant 0 : i32
      %dma_wait3A_24 = tpu.memref_slice %arg4[%mul3A_8, %dma_wait3A_23] : memref<2560x128xi32, #tpu.memory_space<hbm>> -> memref<80x128xi32, #tpu.memory_space<hbm>>
      tpu.wait_dma2 semaphore(%run_scoped3A : memref<!tpu.dma_semaphore, #tpu.memory_space<semaphore_mem>>) src(%dma_wait3A_24 : memref<80x128xi32, #tpu.memory_space<hbm>>) dst(%arg8 : memref<80x128xi32, #tpu.memory_space<vmem>>)
      tpu.yield
    }) : () -> ()
    %barrier3A = arith.constant 0 : index
    tpu.barrier barrier_id(%barrier3A)
    %scan3A = arith.constant 0 : i32
    %scan3A_9 = arith.constant 0 : i32
    %scan3A_10 = arith.constant 80 : i32
    %scan3A_11 = arith.addi %scan3A_9, %scan3A_10 : i32
    %scan3A_12 = arith.constant 1 : i32
    scf.for %scan3A_19 = %scan3A_9 to %scan3A_11 step %scan3A_12  : i32 {
      %dma_start3A = arith.constant 0 : i32
      %dma_start3A_20 = tpu.memref_slice %arg7[%scan3A_19, %dma_start3A] : memref<80x128xi32, #tpu.memory_space<vmem>> -> memref<1x128xi32, #tpu.memory_space<vmem>>
      %dma_start3A_21 = tpu.memref_squeeze %dma_start3A_20 : memref<1x128xi32, #tpu.memory_space<vmem>> -> memref<128xi32, #tpu.memory_space<vmem>>
      %dma_start3A_22 = arith.constant 0 : i32
      %dma_start3A_23 = arith.constant 0 : i32
      %dma_start3A_24 = tpu.memref_slice %arg2[%dma_start3A_22, %dma_start3A_23] : memref<10240x128xf32, #tpu.memory_space<hbm>> -> memref<10240x128xf32, #tpu.memory_space<hbm>>
      tpu.enqueue_indirect_dma source(%dma_start3A_24 : memref<10240x128xf32, #tpu.memory_space<hbm>>) target(%arg9 : memref<128x128xf32, #tpu.memory_space<vmem>>) offsets(%dma_start3A_21 : memref<128xi32, #tpu.memory_space<vmem>>) semaphore(%arg11 : memref<!tpu.dma_semaphore, #tpu.memory_space<semaphore_mem>>)
      %dma_wait3A = arith.constant 0 : i32
      %dma_wait3A_25 = tpu.memref_slice %arg7[%scan3A_19, %dma_wait3A] : memref<80x128xi32, #tpu.memory_space<vmem>> -> memref<1x128xi32, #tpu.memory_space<vmem>>
      %dma_wait3A_26 = tpu.memref_squeeze %dma_wait3A_25 : memref<1x128xi32, #tpu.memory_space<vmem>> -> memref<128xi32, #tpu.memory_space<vmem>>
      %dma_wait3A_27 = arith.constant 0 : i32
      %dma_wait3A_28 = arith.constant 0 : i32
      %dma_wait3A_29 = tpu.memref_slice %arg2[%dma_wait3A_27, %dma_wait3A_28] : memref<10240x128xf32, #tpu.memory_space<hbm>> -> memref<10240x128xf32, #tpu.memory_space<hbm>>
      tpu.wait_indirect_dma semaphore(%arg11 : memref<!tpu.dma_semaphore, #tpu.memory_space<semaphore_mem>>) src(%dma_wait3A_29 : memref<10240x128xf32, #tpu.memory_space<hbm>>) dst(%arg9 : memref<128x128xf32, #tpu.memory_space<vmem>>)
      "tpu.region"() ({
        %run_scoped3A = tpu.sem_alloc : memref<!tpu.dma_semaphore, #tpu.memory_space<semaphore_mem>>
        %dma_start3A_30 = arith.constant 0 : i32
        %dma_start3A_31 = tpu.memref_slice %arg8[%scan3A_19, %dma_start3A_30] : memref<80x128xi32, #tpu.memory_space<vmem>> -> memref<1x128xi32, #tpu.memory_space<vmem>>
        %dma_start3A_32 = tpu.memref_squeeze %dma_start3A_31 : memref<1x128xi32, #tpu.memory_space<vmem>> -> memref<128xi32, #tpu.memory_space<vmem>>
        %dma_start3A_33 = arith.constant 0 : i32
        %dma_start3A_34 = arith.constant 0 : i32
        %dma_start3A_35 = tpu.memref_slice %arg10[%dma_start3A_33, %dma_start3A_34] : memref<10240x128xf32, #tpu.memory_space<vmem_shared>> -> memref<10240x128xf32, #tpu.memory_space<vmem_shared>>
        tpu.enqueue_indirect_dma source(%arg9 : memref<128x128xf32, #tpu.memory_space<vmem>>) target(%dma_start3A_35 : memref<10240x128xf32, #tpu.memory_space<vmem_shared>>) offsets(%dma_start3A_32 : memref<128xi32, #tpu.memory_space<vmem>>) semaphore(%run_scoped3A : memref<!tpu.dma_semaphore, #tpu.memory_space<semaphore_mem>>) {add = true}
        %dma_wait3A_36 = arith.constant 0 : i32
        %dma_wait3A_37 = tpu.memref_slice %arg8[%scan3A_19, %dma_wait3A_36] : memref<80x128xi32, #tpu.memory_space<vmem>> -> memref<1x128xi32, #tpu.memory_space<vmem>>
        %dma_wait3A_38 = tpu.memref_squeeze %dma_wait3A_37 : memref<1x128xi32, #tpu.memory_space<vmem>> -> memref<128xi32, #tpu.memory_space<vmem>>
        %dma_wait3A_39 = arith.constant 0 : i32
        %dma_wait3A_40 = arith.constant 0 : i32
        %dma_wait3A_41 = tpu.memref_slice %arg10[%dma_wait3A_39, %dma_wait3A_40] : memref<10240x128xf32, #tpu.memory_space<vmem_shared>> -> memref<10240x128xf32, #tpu.memory_space<vmem_shared>>
        tpu.wait_indirect_dma semaphore(%run_scoped3A : memref<!tpu.dma_semaphore, #tpu.memory_space<semaphore_mem>>) src(%arg9 : memref<128x128xf32, #tpu.memory_space<vmem>>) dst(%dma_wait3A_41 : memref<10240x128xf32, #tpu.memory_space<vmem_shared>>)
        tpu.yield
      }) : () -> ()
    }
    %scan3A_13 = arith.constant 80 : i32
    %barrier3A_14 = arith.constant 0 : index
    tpu.barrier barrier_id(%barrier3A_14)
    %mul3A_15 = arith.constant 640 : i32
    %mul3A_16 = arith.muli %arg1, %mul3A_15 : i32
    %mul3A_17 = arith.constant 640 : i32
    %mul3A_18 = arith.muli %arg1, %mul3A_17 : i32
    "tpu.region"() ({
      %run_scoped3A = tpu.sem_alloc : memref<!tpu.dma_semaphore, #tpu.memory_space<semaphore_mem>>
      %dma_start3A = arith.constant 0 : i32
      %dma_start3A_19 = tpu.memref_slice %arg6[%arg0, %mul3A_18, %dma_start3A] : memref<2x10240x128xf32, #tpu.memory_space<hbm>> -> memref<1x640x128xf32, #tpu.memory_space<hbm>>
      %dma_start3A_20 = tpu.memref_squeeze %dma_start3A_19 : memref<1x640x128xf32, #tpu.memory_space<hbm>> -> memref<640x128xf32, #tpu.memory_space<hbm>>
      %dma_start3A_21 = arith.constant 0 : i32
      %dma_start3A_22 = tpu.memref_slice %arg10[%mul3A_16, %dma_start3A_21] : memref<10240x128xf32, #tpu.memory_space<vmem_shared>> -> memref<640x128xf32, #tpu.memory_space<vmem_shared>>
      tpu.enqueue_dma source(%dma_start3A_22 : memref<640x128xf32, #tpu.memory_space<vmem_shared>>) target(%dma_start3A_20 : memref<640x128xf32, #tpu.memory_space<hbm>>) target_semaphore(%run_scoped3A : memref<!tpu.dma_semaphore, #tpu.memory_space<semaphore_mem>>)
      %dma_wait3A = arith.constant 0 : i32
      %dma_wait3A_23 = tpu.memref_slice %arg6[%arg0, %mul3A_18, %dma_wait3A] : memref<2x10240x128xf32, #tpu.memory_space<hbm>> -> memref<1x640x128xf32, #tpu.memory_space<hbm>>
      %dma_wait3A_24 = tpu.memref_squeeze %dma_wait3A_23 : memref<1x640x128xf32, #tpu.memory_space<hbm>> -> memref<640x128xf32, #tpu.memory_space<hbm>>
      %dma_wait3A_25 = arith.constant 0 : i32
      %dma_wait3A_26 = tpu.memref_slice %arg10[%mul3A_16, %dma_wait3A_25] : memref<10240x128xf32, #tpu.memory_space<vmem_shared>> -> memref<640x128xf32, #tpu.memory_space<vmem_shared>>
      tpu.wait_dma2 semaphore(%run_scoped3A : memref<!tpu.dma_semaphore, #tpu.memory_space<semaphore_mem>>) src(%dma_wait3A_26 : memref<640x128xf32, #tpu.memory_space<vmem_shared>>) dst(%dma_wait3A_24 : memref<640x128xf32, #tpu.memory_space<hbm>>)
      tpu.yield
    }) : () -> ()
    return
  }
}

#map = affine_map<(d0, d1) -> (0, 0)>
#map1 = affine_map<(d0, d1) -> (0, 0, 0)>
module attributes {stable_mosaic.version = 14 : i64} {
  func.func @_sc_agg(%arg0: i32, %arg1: i32, %arg2: memref<10240x128xf32, #tpu.memory_space<hbm>>, %arg3: memref<2560x128xi32, #tpu.memory_space<hbm>>, %arg4: memref<2560x128xi32, #tpu.memory_space<hbm>>, %arg5: memref<10240x128xf32, #tpu.memory_space<hbm>>, %arg6: memref<2x10240x128xf32, #tpu.memory_space<hbm>>, %arg7: memref<80x128xi32, #tpu.memory_space<vmem>>, %arg8: memref<80x128xi32, #tpu.memory_space<vmem>>, %arg9: memref<128x128xf32, #tpu.memory_space<vmem>>, %arg10: memref<10240x128xf32, #tpu.memory_space<vmem_shared>>, %arg11: memref<!tpu.dma_semaphore, #tpu.memory_space<semaphore_mem>>) attributes {dimension_semantics = [#tpu.dimension_semantics<core_parallel>, #tpu.dimension_semantics<subcore_parallel>], iteration_bounds = array<i64: 2, 16>, scalar_prefetch = 0 : i64, scratch_operands = 5 : i64, tpu.core_type = #tpu.core_type<sc_vector_subcore>, window_params = [{transform_indices = #map}, {transform_indices = #map}, {transform_indices = #map}, {transform_indices = #map}, {transform_indices = #map1}]} {
    %mul3A = arith.constant 2 : i32
    %mul3A_0 = arith.muli %arg1, %mul3A : i32
    %add3A = arith.addi %mul3A_0, %arg0 : i32
    %mul3A_1 = arith.constant 640 : i32
    %mul3A_2 = arith.muli %arg1, %mul3A_1 : i32
    %mul3A_3 = arith.constant 640 : i32
    %mul3A_4 = arith.muli %arg1, %mul3A_3 : i32
    "tpu.region"() ({
      %run_scoped3A = tpu.sem_alloc : memref<!tpu.dma_semaphore, #tpu.memory_space<semaphore_mem>>
      %dma_start3A = arith.constant 0 : i32
      %dma_start3A_19 = tpu.memref_slice %arg10[%mul3A_4, %dma_start3A] : memref<10240x128xf32, #tpu.memory_space<vmem_shared>> -> memref<640x128xf32, #tpu.memory_space<vmem_shared>>
      %dma_start3A_20 = arith.constant 0 : i32
      %dma_start3A_21 = tpu.memref_slice %arg5[%mul3A_2, %dma_start3A_20] : memref<10240x128xf32, #tpu.memory_space<hbm>> -> memref<640x128xf32, #tpu.memory_space<hbm>>
      tpu.enqueue_dma source(%dma_start3A_21 : memref<640x128xf32, #tpu.memory_space<hbm>>) target(%dma_start3A_19 : memref<640x128xf32, #tpu.memory_space<vmem_shared>>) target_semaphore(%run_scoped3A : memref<!tpu.dma_semaphore, #tpu.memory_space<semaphore_mem>>)
      %dma_wait3A = arith.constant 0 : i32
      %dma_wait3A_22 = tpu.memref_slice %arg10[%mul3A_4, %dma_wait3A] : memref<10240x128xf32, #tpu.memory_space<vmem_shared>> -> memref<640x128xf32, #tpu.memory_space<vmem_shared>>
      %dma_wait3A_23 = arith.constant 0 : i32
      %dma_wait3A_24 = tpu.memref_slice %arg5[%mul3A_2, %dma_wait3A_23] : memref<10240x128xf32, #tpu.memory_space<hbm>> -> memref<640x128xf32, #tpu.memory_space<hbm>>
      tpu.wait_dma2 semaphore(%run_scoped3A : memref<!tpu.dma_semaphore, #tpu.memory_space<semaphore_mem>>) src(%dma_wait3A_24 : memref<640x128xf32, #tpu.memory_space<hbm>>) dst(%dma_wait3A_22 : memref<640x128xf32, #tpu.memory_space<vmem_shared>>)
      tpu.yield
    }) : () -> ()
    %mul3A_5 = arith.constant 80 : i32
    %mul3A_6 = arith.muli %add3A, %mul3A_5 : i32
    "tpu.region"() ({
      %run_scoped3A = tpu.sem_alloc : memref<!tpu.dma_semaphore, #tpu.memory_space<semaphore_mem>>
      %dma_start3A = arith.constant 0 : i32
      %dma_start3A_19 = tpu.memref_slice %arg3[%mul3A_6, %dma_start3A] : memref<2560x128xi32, #tpu.memory_space<hbm>> -> memref<80x128xi32, #tpu.memory_space<hbm>>
      %dma_start3A_20 = arith.constant 0 : i32
      %dma_start3A_21 = tpu.memref_slice %arg3[%mul3A_6, %dma_start3A_20] : memref<2560x128xi32, #tpu.memory_space<hbm>> -> memref<80x128xi32, #tpu.memory_space<hbm>>
      tpu.enqueue_dma source(%dma_start3A_21 : memref<80x128xi32, #tpu.memory_space<hbm>>) target(%arg7 : memref<80x128xi32, #tpu.memory_space<vmem>>) target_semaphore(%run_scoped3A : memref<!tpu.dma_semaphore, #tpu.memory_space<semaphore_mem>>)
      %dma_wait3A = arith.constant 0 : i32
      %dma_wait3A_22 = tpu.memref_slice %arg3[%mul3A_6, %dma_wait3A] : memref<2560x128xi32, #tpu.memory_space<hbm>> -> memref<80x128xi32, #tpu.memory_space<hbm>>
      %dma_wait3A_23 = arith.constant 0 : i32
      %dma_wait3A_24 = tpu.memref_slice %arg3[%mul3A_6, %dma_wait3A_23] : memref<2560x128xi32, #tpu.memory_space<hbm>> -> memref<80x128xi32, #tpu.memory_space<hbm>>
      tpu.wait_dma2 semaphore(%run_scoped3A : memref<!tpu.dma_semaphore, #tpu.memory_space<semaphore_mem>>) src(%dma_wait3A_24 : memref<80x128xi32, #tpu.memory_space<hbm>>) dst(%arg7 : memref<80x128xi32, #tpu.memory_space<vmem>>)
      tpu.yield
    }) : () -> ()
    %mul3A_7 = arith.constant 80 : i32
    %mul3A_8 = arith.muli %add3A, %mul3A_7 : i32
    "tpu.region"() ({
      %run_scoped3A = tpu.sem_alloc : memref<!tpu.dma_semaphore, #tpu.memory_space<semaphore_mem>>
      %dma_start3A = arith.constant 0 : i32
      %dma_start3A_19 = tpu.memref_slice %arg4[%mul3A_8, %dma_start3A] : memref<2560x128xi32, #tpu.memory_space<hbm>> -> memref<80x128xi32, #tpu.memory_space<hbm>>
      %dma_start3A_20 = arith.constant 0 : i32
      %dma_start3A_21 = tpu.memref_slice %arg4[%mul3A_8, %dma_start3A_20] : memref<2560x128xi32, #tpu.memory_space<hbm>> -> memref<80x128xi32, #tpu.memory_space<hbm>>
      tpu.enqueue_dma source(%dma_start3A_21 : memref<80x128xi32, #tpu.memory_space<hbm>>) target(%arg8 : memref<80x128xi32, #tpu.memory_space<vmem>>) target_semaphore(%run_scoped3A : memref<!tpu.dma_semaphore, #tpu.memory_space<semaphore_mem>>)
      %dma_wait3A = arith.constant 0 : i32
      %dma_wait3A_22 = tpu.memref_slice %arg4[%mul3A_8, %dma_wait3A] : memref<2560x128xi32, #tpu.memory_space<hbm>> -> memref<80x128xi32, #tpu.memory_space<hbm>>
      %dma_wait3A_23 = arith.constant 0 : i32
      %dma_wait3A_24 = tpu.memref_slice %arg4[%mul3A_8, %dma_wait3A_23] : memref<2560x128xi32, #tpu.memory_space<hbm>> -> memref<80x128xi32, #tpu.memory_space<hbm>>
      tpu.wait_dma2 semaphore(%run_scoped3A : memref<!tpu.dma_semaphore, #tpu.memory_space<semaphore_mem>>) src(%dma_wait3A_24 : memref<80x128xi32, #tpu.memory_space<hbm>>) dst(%arg8 : memref<80x128xi32, #tpu.memory_space<vmem>>)
      tpu.yield
    }) : () -> ()
    %barrier3A = arith.constant 0 : index
    tpu.barrier barrier_id(%barrier3A)
    %scan3A = arith.constant 0 : i32
    %scan3A_9 = arith.constant 0 : i32
    %scan3A_10 = arith.constant 80 : i32
    %scan3A_11 = arith.addi %scan3A_9, %scan3A_10 : i32
    %scan3A_12 = arith.constant 1 : i32
    scf.for %scan3A_19 = %scan3A_9 to %scan3A_11 step %scan3A_12  : i32 {
      %dma_start3A = arith.constant 0 : i32
      %dma_start3A_20 = tpu.memref_slice %arg7[%scan3A_19, %dma_start3A] : memref<80x128xi32, #tpu.memory_space<vmem>> -> memref<1x128xi32, #tpu.memory_space<vmem>>
      %dma_start3A_21 = tpu.memref_squeeze %dma_start3A_20 : memref<1x128xi32, #tpu.memory_space<vmem>> -> memref<128xi32, #tpu.memory_space<vmem>>
      %dma_start3A_22 = arith.constant 0 : i32
      %dma_start3A_23 = arith.constant 0 : i32
      %dma_start3A_24 = tpu.memref_slice %arg2[%dma_start3A_22, %dma_start3A_23] : memref<10240x128xf32, #tpu.memory_space<hbm>> -> memref<10240x128xf32, #tpu.memory_space<hbm>>
      tpu.enqueue_indirect_dma source(%dma_start3A_24 : memref<10240x128xf32, #tpu.memory_space<hbm>>) target(%arg9 : memref<128x128xf32, #tpu.memory_space<vmem>>) offsets(%dma_start3A_21 : memref<128xi32, #tpu.memory_space<vmem>>) semaphore(%arg11 : memref<!tpu.dma_semaphore, #tpu.memory_space<semaphore_mem>>)
      %dma_wait3A = arith.constant 0 : i32
      %dma_wait3A_25 = tpu.memref_slice %arg7[%scan3A_19, %dma_wait3A] : memref<80x128xi32, #tpu.memory_space<vmem>> -> memref<1x128xi32, #tpu.memory_space<vmem>>
      %dma_wait3A_26 = tpu.memref_squeeze %dma_wait3A_25 : memref<1x128xi32, #tpu.memory_space<vmem>> -> memref<128xi32, #tpu.memory_space<vmem>>
      %dma_wait3A_27 = arith.constant 0 : i32
      %dma_wait3A_28 = arith.constant 0 : i32
      %dma_wait3A_29 = tpu.memref_slice %arg2[%dma_wait3A_27, %dma_wait3A_28] : memref<10240x128xf32, #tpu.memory_space<hbm>> -> memref<10240x128xf32, #tpu.memory_space<hbm>>
      tpu.wait_indirect_dma semaphore(%arg11 : memref<!tpu.dma_semaphore, #tpu.memory_space<semaphore_mem>>) src(%dma_wait3A_29 : memref<10240x128xf32, #tpu.memory_space<hbm>>) dst(%arg9 : memref<128x128xf32, #tpu.memory_space<vmem>>)
      "tpu.region"() ({
        %run_scoped3A = tpu.sem_alloc : memref<!tpu.dma_semaphore, #tpu.memory_space<semaphore_mem>>
        %dma_start3A_30 = arith.constant 0 : i32
        %dma_start3A_31 = tpu.memref_slice %arg8[%scan3A_19, %dma_start3A_30] : memref<80x128xi32, #tpu.memory_space<vmem>> -> memref<1x128xi32, #tpu.memory_space<vmem>>
        %dma_start3A_32 = tpu.memref_squeeze %dma_start3A_31 : memref<1x128xi32, #tpu.memory_space<vmem>> -> memref<128xi32, #tpu.memory_space<vmem>>
        %dma_start3A_33 = arith.constant 0 : i32
        %dma_start3A_34 = arith.constant 0 : i32
        %dma_start3A_35 = tpu.memref_slice %arg10[%dma_start3A_33, %dma_start3A_34] : memref<10240x128xf32, #tpu.memory_space<vmem_shared>> -> memref<10240x128xf32, #tpu.memory_space<vmem_shared>>
        tpu.enqueue_indirect_dma source(%arg9 : memref<128x128xf32, #tpu.memory_space<vmem>>) target(%dma_start3A_35 : memref<10240x128xf32, #tpu.memory_space<vmem_shared>>) offsets(%dma_start3A_32 : memref<128xi32, #tpu.memory_space<vmem>>) semaphore(%run_scoped3A : memref<!tpu.dma_semaphore, #tpu.memory_space<semaphore_mem>>) {add = true}
        %dma_wait3A_36 = arith.constant 0 : i32
        %dma_wait3A_37 = tpu.memref_slice %arg8[%scan3A_19, %dma_wait3A_36] : memref<80x128xi32, #tpu.memory_space<vmem>> -> memref<1x128xi32, #tpu.memory_space<vmem>>
        %dma_wait3A_38 = tpu.memref_squeeze %dma_wait3A_37 : memref<1x128xi32, #tpu.memory_space<vmem>> -> memref<128xi32, #tpu.memory_space<vmem>>
        %dma_wait3A_39 = arith.constant 0 : i32
        %dma_wait3A_40 = arith.constant 0 : i32
        %dma_wait3A_41 = tpu.memref_slice %arg10[%dma_wait3A_39, %dma_wait3A_40] : memref<10240x128xf32, #tpu.memory_space<vmem_shared>> -> memref<10240x128xf32, #tpu.memory_space<vmem_shared>>
        tpu.wait_indirect_dma semaphore(%run_scoped3A : memref<!tpu.dma_semaphore, #tpu.memory_space<semaphore_mem>>) src(%arg9 : memref<128x128xf32, #tpu.memory_space<vmem>>) dst(%dma_wait3A_41 : memref<10240x128xf32, #tpu.memory_space<vmem_shared>>)
        tpu.yield
      }) : () -> ()
    }
    %scan3A_13 = arith.constant 80 : i32
    %barrier3A_14 = arith.constant 0 : index
    tpu.barrier barrier_id(%barrier3A_14)
    %mul3A_15 = arith.constant 640 : i32
    %mul3A_16 = arith.muli %arg1, %mul3A_15 : i32
    %mul3A_17 = arith.constant 640 : i32
    %mul3A_18 = arith.muli %arg1, %mul3A_17 : i32
    "tpu.region"() ({
      %run_scoped3A = tpu.sem_alloc : memref<!tpu.dma_semaphore, #tpu.memory_space<semaphore_mem>>
      %dma_start3A = arith.constant 0 : i32
      %dma_start3A_19 = tpu.memref_slice %arg6[%arg0, %mul3A_18, %dma_start3A] : memref<2x10240x128xf32, #tpu.memory_space<hbm>> -> memref<1x640x128xf32, #tpu.memory_space<hbm>>
      %dma_start3A_20 = tpu.memref_squeeze %dma_start3A_19 : memref<1x640x128xf32, #tpu.memory_space<hbm>> -> memref<640x128xf32, #tpu.memory_space<hbm>>
      %dma_start3A_21 = arith.constant 0 : i32
      %dma_start3A_22 = tpu.memref_slice %arg10[%mul3A_16, %dma_start3A_21] : memref<10240x128xf32, #tpu.memory_space<vmem_shared>> -> memref<640x128xf32, #tpu.memory_space<vmem_shared>>
      tpu.enqueue_dma source(%dma_start3A_22 : memref<640x128xf32, #tpu.memory_space<vmem_shared>>) target(%dma_start3A_20 : memref<640x128xf32, #tpu.memory_space<hbm>>) target_semaphore(%run_scoped3A : memref<!tpu.dma_semaphore, #tpu.memory_space<semaphore_mem>>)
      %dma_wait3A = arith.constant 0 : i32
      %dma_wait3A_23 = tpu.memref_slice %arg6[%arg0, %mul3A_18, %dma_wait3A] : memref<2x10240x128xf32, #tpu.memory_space<hbm>> -> memref<1x640x128xf32, #tpu.memory_space<hbm>>
      %dma_wait3A_24 = tpu.memref_squeeze %dma_wait3A_23 : memref<1x640x128xf32, #tpu.memory_space<hbm>> -> memref<640x128xf32, #tpu.memory_space<hbm>>
      %dma_wait3A_25 = arith.constant 0 : i32
      %dma_wait3A_26 = tpu.memref_slice %arg10[%mul3A_16, %dma_wait3A_25] : memref<10240x128xf32, #tpu.memory_space<vmem_shared>> -> memref<640x128xf32, #tpu.memory_space<vmem_shared>>
      tpu.wait_dma2 semaphore(%run_scoped3A : memref<!tpu.dma_semaphore, #tpu.memory_space<semaphore_mem>>) src(%dma_wait3A_26 : memref<640x128xf32, #tpu.memory_space<vmem_shared>>) dst(%dma_wait3A_24 : memref<640x128xf32, #tpu.memory_space<hbm>>)
      tpu.yield
    }) : () -> ()
    return
  }
}

#map = affine_map<(d0, d1) -> (0, 0)>
#map1 = affine_map<(d0, d1) -> (0, 0, 0)>
module attributes {stable_mosaic.version = 14 : i64} {
  func.func @_sc_deg(%arg0: i32, %arg1: i32, %arg2: memref<2560x128xi32, #tpu.memory_space<hbm>>, %arg3: memref<128x128xf32, #tpu.memory_space<hbm>>, %arg4: memref<10240x128xf32, #tpu.memory_space<hbm>>, %arg5: memref<2x10240x128xf32, #tpu.memory_space<hbm>>, %arg6: memref<80x128xi32, #tpu.memory_space<vmem>>, %arg7: memref<128x128xf32, #tpu.memory_space<vmem>>, %arg8: memref<10240x128xf32, #tpu.memory_space<vmem_shared>>) attributes {dimension_semantics = [#tpu.dimension_semantics<core_parallel>, #tpu.dimension_semantics<subcore_parallel>], iteration_bounds = array<i64: 2, 16>, scalar_prefetch = 0 : i64, scratch_operands = 3 : i64, tpu.core_type = #tpu.core_type<sc_vector_subcore>, window_params = [{transform_indices = #map}, {transform_indices = #map}, {transform_indices = #map}, {transform_indices = #map1}]} {
    %mul3A = arith.constant 2 : i32
    %mul3A_0 = arith.muli %arg1, %mul3A : i32
    %add3A = arith.addi %mul3A_0, %arg0 : i32
    %mul3A_1 = arith.constant 640 : i32
    %mul3A_2 = arith.muli %arg1, %mul3A_1 : i32
    %mul3A_3 = arith.constant 640 : i32
    %mul3A_4 = arith.muli %arg1, %mul3A_3 : i32
    "tpu.region"() ({
      %run_scoped3A = tpu.sem_alloc : memref<!tpu.dma_semaphore, #tpu.memory_space<semaphore_mem>>
      %dma_start3A = arith.constant 0 : i32
      %dma_start3A_17 = tpu.memref_slice %arg8[%mul3A_4, %dma_start3A] : memref<10240x128xf32, #tpu.memory_space<vmem_shared>> -> memref<640x128xf32, #tpu.memory_space<vmem_shared>>
      %dma_start3A_18 = arith.constant 0 : i32
      %dma_start3A_19 = tpu.memref_slice %arg4[%mul3A_2, %dma_start3A_18] : memref<10240x128xf32, #tpu.memory_space<hbm>> -> memref<640x128xf32, #tpu.memory_space<hbm>>
      tpu.enqueue_dma source(%dma_start3A_19 : memref<640x128xf32, #tpu.memory_space<hbm>>) target(%dma_start3A_17 : memref<640x128xf32, #tpu.memory_space<vmem_shared>>) target_semaphore(%run_scoped3A : memref<!tpu.dma_semaphore, #tpu.memory_space<semaphore_mem>>)
      %dma_wait3A = arith.constant 0 : i32
      %dma_wait3A_20 = tpu.memref_slice %arg8[%mul3A_4, %dma_wait3A] : memref<10240x128xf32, #tpu.memory_space<vmem_shared>> -> memref<640x128xf32, #tpu.memory_space<vmem_shared>>
      %dma_wait3A_21 = arith.constant 0 : i32
      %dma_wait3A_22 = tpu.memref_slice %arg4[%mul3A_2, %dma_wait3A_21] : memref<10240x128xf32, #tpu.memory_space<hbm>> -> memref<640x128xf32, #tpu.memory_space<hbm>>
      tpu.wait_dma2 semaphore(%run_scoped3A : memref<!tpu.dma_semaphore, #tpu.memory_space<semaphore_mem>>) src(%dma_wait3A_22 : memref<640x128xf32, #tpu.memory_space<hbm>>) dst(%dma_wait3A_20 : memref<640x128xf32, #tpu.memory_space<vmem_shared>>)
      tpu.yield
    }) : () -> ()
    %mul3A_5 = arith.constant 80 : i32
    %mul3A_6 = arith.muli %add3A, %mul3A_5 : i32
    "tpu.region"() ({
      %run_scoped3A = tpu.sem_alloc : memref<!tpu.dma_semaphore, #tpu.memory_space<semaphore_mem>>
      %dma_start3A = arith.constant 0 : i32
      %dma_start3A_17 = tpu.memref_slice %arg2[%mul3A_6, %dma_start3A] : memref<2560x128xi32, #tpu.memory_space<hbm>> -> memref<80x128xi32, #tpu.memory_space<hbm>>
      %dma_start3A_18 = arith.constant 0 : i32
      %dma_start3A_19 = tpu.memref_slice %arg2[%mul3A_6, %dma_start3A_18] : memref<2560x128xi32, #tpu.memory_space<hbm>> -> memref<80x128xi32, #tpu.memory_space<hbm>>
      tpu.enqueue_dma source(%dma_start3A_19 : memref<80x128xi32, #tpu.memory_space<hbm>>) target(%arg6 : memref<80x128xi32, #tpu.memory_space<vmem>>) target_semaphore(%run_scoped3A : memref<!tpu.dma_semaphore, #tpu.memory_space<semaphore_mem>>)
      %dma_wait3A = arith.constant 0 : i32
      %dma_wait3A_20 = tpu.memref_slice %arg2[%mul3A_6, %dma_wait3A] : memref<2560x128xi32, #tpu.memory_space<hbm>> -> memref<80x128xi32, #tpu.memory_space<hbm>>
      %dma_wait3A_21 = arith.constant 0 : i32
      %dma_wait3A_22 = tpu.memref_slice %arg2[%mul3A_6, %dma_wait3A_21] : memref<2560x128xi32, #tpu.memory_space<hbm>> -> memref<80x128xi32, #tpu.memory_space<hbm>>
      tpu.wait_dma2 semaphore(%run_scoped3A : memref<!tpu.dma_semaphore, #tpu.memory_space<semaphore_mem>>) src(%dma_wait3A_22 : memref<80x128xi32, #tpu.memory_space<hbm>>) dst(%arg6 : memref<80x128xi32, #tpu.memory_space<vmem>>)
      tpu.yield
    }) : () -> ()
    "tpu.region"() ({
      %run_scoped3A = tpu.sem_alloc : memref<!tpu.dma_semaphore, #tpu.memory_space<semaphore_mem>>
      tpu.enqueue_dma source(%arg3 : memref<128x128xf32, #tpu.memory_space<hbm>>) target(%arg7 : memref<128x128xf32, #tpu.memory_space<vmem>>) target_semaphore(%run_scoped3A : memref<!tpu.dma_semaphore, #tpu.memory_space<semaphore_mem>>)
      tpu.wait_dma2 semaphore(%run_scoped3A : memref<!tpu.dma_semaphore, #tpu.memory_space<semaphore_mem>>) src(%arg3 : memref<128x128xf32, #tpu.memory_space<hbm>>) dst(%arg7 : memref<128x128xf32, #tpu.memory_space<vmem>>)
      tpu.yield
    }) : () -> ()
    %barrier3A = arith.constant 0 : index
    tpu.barrier barrier_id(%barrier3A)
    %scan3A = arith.constant 0 : i32
    %scan3A_7 = arith.constant 0 : i32
    %scan3A_8 = arith.constant 80 : i32
    %scan3A_9 = arith.addi %scan3A_7, %scan3A_8 : i32
    %scan3A_10 = arith.constant 1 : i32
    scf.for %scan3A_17 = %scan3A_7 to %scan3A_9 step %scan3A_10  : i32 {
      "tpu.region"() ({
        %run_scoped3A = tpu.sem_alloc : memref<!tpu.dma_semaphore, #tpu.memory_space<semaphore_mem>>
        %dma_start3A = arith.constant 0 : i32
        %dma_start3A_18 = tpu.memref_slice %arg6[%scan3A_17, %dma_start3A] : memref<80x128xi32, #tpu.memory_space<vmem>> -> memref<1x128xi32, #tpu.memory_space<vmem>>
        %dma_start3A_19 = tpu.memref_squeeze %dma_start3A_18 : memref<1x128xi32, #tpu.memory_space<vmem>> -> memref<128xi32, #tpu.memory_space<vmem>>
        %dma_start3A_20 = arith.constant 0 : i32
        %dma_start3A_21 = arith.constant 0 : i32
        %dma_start3A_22 = tpu.memref_slice %arg8[%dma_start3A_20, %dma_start3A_21] : memref<10240x128xf32, #tpu.memory_space<vmem_shared>> -> memref<10240x128xf32, #tpu.memory_space<vmem_shared>>
        tpu.enqueue_indirect_dma source(%arg7 : memref<128x128xf32, #tpu.memory_space<vmem>>) target(%dma_start3A_22 : memref<10240x128xf32, #tpu.memory_space<vmem_shared>>) offsets(%dma_start3A_19 : memref<128xi32, #tpu.memory_space<vmem>>) semaphore(%run_scoped3A : memref<!tpu.dma_semaphore, #tpu.memory_space<semaphore_mem>>) {add = true}
        %dma_wait3A = arith.constant 0 : i32
        %dma_wait3A_23 = tpu.memref_slice %arg6[%scan3A_17, %dma_wait3A] : memref<80x128xi32, #tpu.memory_space<vmem>> -> memref<1x128xi32, #tpu.memory_space<vmem>>
        %dma_wait3A_24 = tpu.memref_squeeze %dma_wait3A_23 : memref<1x128xi32, #tpu.memory_space<vmem>> -> memref<128xi32, #tpu.memory_space<vmem>>
        %dma_wait3A_25 = arith.constant 0 : i32
        %dma_wait3A_26 = arith.constant 0 : i32
        %dma_wait3A_27 = tpu.memref_slice %arg8[%dma_wait3A_25, %dma_wait3A_26] : memref<10240x128xf32, #tpu.memory_space<vmem_shared>> -> memref<10240x128xf32, #tpu.memory_space<vmem_shared>>
        tpu.wait_indirect_dma semaphore(%run_scoped3A : memref<!tpu.dma_semaphore, #tpu.memory_space<semaphore_mem>>) src(%arg7 : memref<128x128xf32, #tpu.memory_space<vmem>>) dst(%dma_wait3A_27 : memref<10240x128xf32, #tpu.memory_space<vmem_shared>>)
        tpu.yield
      }) : () -> ()
    }
    %scan3A_11 = arith.constant 80 : i32
    %barrier3A_12 = arith.constant 0 : index
    tpu.barrier barrier_id(%barrier3A_12)
    %mul3A_13 = arith.constant 640 : i32
    %mul3A_14 = arith.muli %arg1, %mul3A_13 : i32
    %mul3A_15 = arith.constant 640 : i32
    %mul3A_16 = arith.muli %arg1, %mul3A_15 : i32
    "tpu.region"() ({
      %run_scoped3A = tpu.sem_alloc : memref<!tpu.dma_semaphore, #tpu.memory_space<semaphore_mem>>
      %dma_start3A = arith.constant 0 : i32
      %dma_start3A_17 = tpu.memref_slice %arg5[%arg0, %mul3A_16, %dma_start3A] : memref<2x10240x128xf32, #tpu.memory_space<hbm>> -> memref<1x640x128xf32, #tpu.memory_space<hbm>>
      %dma_start3A_18 = tpu.memref_squeeze %dma_start3A_17 : memref<1x640x128xf32, #tpu.memory_space<hbm>> -> memref<640x128xf32, #tpu.memory_space<hbm>>
      %dma_start3A_19 = arith.constant 0 : i32
      %dma_start3A_20 = tpu.memref_slice %arg8[%mul3A_14, %dma_start3A_19] : memref<10240x128xf32, #tpu.memory_space<vmem_shared>> -> memref<640x128xf32, #tpu.memory_space<vmem_shared>>
      tpu.enqueue_dma source(%dma_start3A_20 : memref<640x128xf32, #tpu.memory_space<vmem_shared>>) target(%dma_start3A_18 : memref<640x128xf32, #tpu.memory_space<hbm>>) target_semaphore(%run_scoped3A : memref<!tpu.dma_semaphore, #tpu.memory_space<semaphore_mem>>)
      %dma_wait3A = arith.constant 0 : i32
      %dma_wait3A_21 = tpu.memref_slice %arg5[%arg0, %mul3A_16, %dma_wait3A] : memref<2x10240x128xf32, #tpu.memory_space<hbm>> -> memref<1x640x128xf32, #tpu.memory_space<hbm>>
      %dma_wait3A_22 = tpu.memref_squeeze %dma_wait3A_21 : memref<1x640x128xf32, #tpu.memory_space<hbm>> -> memref<640x128xf32, #tpu.memory_space<hbm>>
      %dma_wait3A_23 = arith.constant 0 : i32
      %dma_wait3A_24 = tpu.memref_slice %arg8[%mul3A_14, %dma_wait3A_23] : memref<10240x128xf32, #tpu.memory_space<vmem_shared>> -> memref<640x128xf32, #tpu.memory_space<vmem_shared>>
      tpu.wait_dma2 semaphore(%run_scoped3A : memref<!tpu.dma_semaphore, #tpu.memory_space<semaphore_mem>>) src(%dma_wait3A_24 : memref<640x128xf32, #tpu.memory_space<vmem_shared>>) dst(%dma_wait3A_22 : memref<640x128xf32, #tpu.memory_space<hbm>>)
      tpu.yield
    }) : () -> ()
    return
  }
}

#map = affine_map<(d0, d1) -> (0, 0)>
#map1 = affine_map<(d0, d1) -> (0, 0, 0)>
module attributes {stable_mosaic.version = 14 : i64} {
  func.func @_sc_agg(%arg0: i32, %arg1: i32, %arg2: memref<10240x128xf32, #tpu.memory_space<hbm>>, %arg3: memref<2560x128xi32, #tpu.memory_space<hbm>>, %arg4: memref<2560x128xi32, #tpu.memory_space<hbm>>, %arg5: memref<10240x128xf32, #tpu.memory_space<hbm>>, %arg6: memref<2x10240x128xf32, #tpu.memory_space<hbm>>, %arg7: memref<80x128xi32, #tpu.memory_space<vmem>>, %arg8: memref<80x128xi32, #tpu.memory_space<vmem>>, %arg9: memref<128x128xf32, #tpu.memory_space<vmem>>, %arg10: memref<10240x128xf32, #tpu.memory_space<vmem_shared>>, %arg11: memref<!tpu.dma_semaphore, #tpu.memory_space<semaphore_mem>>) attributes {dimension_semantics = [#tpu.dimension_semantics<core_parallel>, #tpu.dimension_semantics<subcore_parallel>], iteration_bounds = array<i64: 2, 16>, scalar_prefetch = 0 : i64, scratch_operands = 5 : i64, tpu.core_type = #tpu.core_type<sc_vector_subcore>, window_params = [{transform_indices = #map}, {transform_indices = #map}, {transform_indices = #map}, {transform_indices = #map}, {transform_indices = #map1}]} {
    %mul3A = arith.constant 2 : i32
    %mul3A_0 = arith.muli %arg1, %mul3A : i32
    %add3A = arith.addi %mul3A_0, %arg0 : i32
    %mul3A_1 = arith.constant 640 : i32
    %mul3A_2 = arith.muli %arg1, %mul3A_1 : i32
    %mul3A_3 = arith.constant 640 : i32
    %mul3A_4 = arith.muli %arg1, %mul3A_3 : i32
    "tpu.region"() ({
      %run_scoped3A = tpu.sem_alloc : memref<!tpu.dma_semaphore, #tpu.memory_space<semaphore_mem>>
      %dma_start3A = arith.constant 0 : i32
      %dma_start3A_19 = tpu.memref_slice %arg10[%mul3A_4, %dma_start3A] : memref<10240x128xf32, #tpu.memory_space<vmem_shared>> -> memref<640x128xf32, #tpu.memory_space<vmem_shared>>
      %dma_start3A_20 = arith.constant 0 : i32
      %dma_start3A_21 = tpu.memref_slice %arg5[%mul3A_2, %dma_start3A_20] : memref<10240x128xf32, #tpu.memory_space<hbm>> -> memref<640x128xf32, #tpu.memory_space<hbm>>
      tpu.enqueue_dma source(%dma_start3A_21 : memref<640x128xf32, #tpu.memory_space<hbm>>) target(%dma_start3A_19 : memref<640x128xf32, #tpu.memory_space<vmem_shared>>) target_semaphore(%run_scoped3A : memref<!tpu.dma_semaphore, #tpu.memory_space<semaphore_mem>>)
      %dma_wait3A = arith.constant 0 : i32
      %dma_wait3A_22 = tpu.memref_slice %arg10[%mul3A_4, %dma_wait3A] : memref<10240x128xf32, #tpu.memory_space<vmem_shared>> -> memref<640x128xf32, #tpu.memory_space<vmem_shared>>
      %dma_wait3A_23 = arith.constant 0 : i32
      %dma_wait3A_24 = tpu.memref_slice %arg5[%mul3A_2, %dma_wait3A_23] : memref<10240x128xf32, #tpu.memory_space<hbm>> -> memref<640x128xf32, #tpu.memory_space<hbm>>
      tpu.wait_dma2 semaphore(%run_scoped3A : memref<!tpu.dma_semaphore, #tpu.memory_space<semaphore_mem>>) src(%dma_wait3A_24 : memref<640x128xf32, #tpu.memory_space<hbm>>) dst(%dma_wait3A_22 : memref<640x128xf32, #tpu.memory_space<vmem_shared>>)
      tpu.yield
    }) : () -> ()
    %mul3A_5 = arith.constant 80 : i32
    %mul3A_6 = arith.muli %add3A, %mul3A_5 : i32
    "tpu.region"() ({
      %run_scoped3A = tpu.sem_alloc : memref<!tpu.dma_semaphore, #tpu.memory_space<semaphore_mem>>
      %dma_start3A = arith.constant 0 : i32
      %dma_start3A_19 = tpu.memref_slice %arg3[%mul3A_6, %dma_start3A] : memref<2560x128xi32, #tpu.memory_space<hbm>> -> memref<80x128xi32, #tpu.memory_space<hbm>>
      %dma_start3A_20 = arith.constant 0 : i32
      %dma_start3A_21 = tpu.memref_slice %arg3[%mul3A_6, %dma_start3A_20] : memref<2560x128xi32, #tpu.memory_space<hbm>> -> memref<80x128xi32, #tpu.memory_space<hbm>>
      tpu.enqueue_dma source(%dma_start3A_21 : memref<80x128xi32, #tpu.memory_space<hbm>>) target(%arg7 : memref<80x128xi32, #tpu.memory_space<vmem>>) target_semaphore(%run_scoped3A : memref<!tpu.dma_semaphore, #tpu.memory_space<semaphore_mem>>)
      %dma_wait3A = arith.constant 0 : i32
      %dma_wait3A_22 = tpu.memref_slice %arg3[%mul3A_6, %dma_wait3A] : memref<2560x128xi32, #tpu.memory_space<hbm>> -> memref<80x128xi32, #tpu.memory_space<hbm>>
      %dma_wait3A_23 = arith.constant 0 : i32
      %dma_wait3A_24 = tpu.memref_slice %arg3[%mul3A_6, %dma_wait3A_23] : memref<2560x128xi32, #tpu.memory_space<hbm>> -> memref<80x128xi32, #tpu.memory_space<hbm>>
      tpu.wait_dma2 semaphore(%run_scoped3A : memref<!tpu.dma_semaphore, #tpu.memory_space<semaphore_mem>>) src(%dma_wait3A_24 : memref<80x128xi32, #tpu.memory_space<hbm>>) dst(%arg7 : memref<80x128xi32, #tpu.memory_space<vmem>>)
      tpu.yield
    }) : () -> ()
    %mul3A_7 = arith.constant 80 : i32
    %mul3A_8 = arith.muli %add3A, %mul3A_7 : i32
    "tpu.region"() ({
      %run_scoped3A = tpu.sem_alloc : memref<!tpu.dma_semaphore, #tpu.memory_space<semaphore_mem>>
      %dma_start3A = arith.constant 0 : i32
      %dma_start3A_19 = tpu.memref_slice %arg4[%mul3A_8, %dma_start3A] : memref<2560x128xi32, #tpu.memory_space<hbm>> -> memref<80x128xi32, #tpu.memory_space<hbm>>
      %dma_start3A_20 = arith.constant 0 : i32
      %dma_start3A_21 = tpu.memref_slice %arg4[%mul3A_8, %dma_start3A_20] : memref<2560x128xi32, #tpu.memory_space<hbm>> -> memref<80x128xi32, #tpu.memory_space<hbm>>
      tpu.enqueue_dma source(%dma_start3A_21 : memref<80x128xi32, #tpu.memory_space<hbm>>) target(%arg8 : memref<80x128xi32, #tpu.memory_space<vmem>>) target_semaphore(%run_scoped3A : memref<!tpu.dma_semaphore, #tpu.memory_space<semaphore_mem>>)
      %dma_wait3A = arith.constant 0 : i32
      %dma_wait3A_22 = tpu.memref_slice %arg4[%mul3A_8, %dma_wait3A] : memref<2560x128xi32, #tpu.memory_space<hbm>> -> memref<80x128xi32, #tpu.memory_space<hbm>>
      %dma_wait3A_23 = arith.constant 0 : i32
      %dma_wait3A_24 = tpu.memref_slice %arg4[%mul3A_8, %dma_wait3A_23] : memref<2560x128xi32, #tpu.memory_space<hbm>> -> memref<80x128xi32, #tpu.memory_space<hbm>>
      tpu.wait_dma2 semaphore(%run_scoped3A : memref<!tpu.dma_semaphore, #tpu.memory_space<semaphore_mem>>) src(%dma_wait3A_24 : memref<80x128xi32, #tpu.memory_space<hbm>>) dst(%arg8 : memref<80x128xi32, #tpu.memory_space<vmem>>)
      tpu.yield
    }) : () -> ()
    %barrier3A = arith.constant 0 : index
    tpu.barrier barrier_id(%barrier3A)
    %scan3A = arith.constant 0 : i32
    %scan3A_9 = arith.constant 0 : i32
    %scan3A_10 = arith.constant 80 : i32
    %scan3A_11 = arith.addi %scan3A_9, %scan3A_10 : i32
    %scan3A_12 = arith.constant 1 : i32
    scf.for %scan3A_19 = %scan3A_9 to %scan3A_11 step %scan3A_12  : i32 {
      %dma_start3A = arith.constant 0 : i32
      %dma_start3A_20 = tpu.memref_slice %arg7[%scan3A_19, %dma_start3A] : memref<80x128xi32, #tpu.memory_space<vmem>> -> memref<1x128xi32, #tpu.memory_space<vmem>>
      %dma_start3A_21 = tpu.memref_squeeze %dma_start3A_20 : memref<1x128xi32, #tpu.memory_space<vmem>> -> memref<128xi32, #tpu.memory_space<vmem>>
      %dma_start3A_22 = arith.constant 0 : i32
      %dma_start3A_23 = arith.constant 0 : i32
      %dma_start3A_24 = tpu.memref_slice %arg2[%dma_start3A_22, %dma_start3A_23] : memref<10240x128xf32, #tpu.memory_space<hbm>> -> memref<10240x128xf32, #tpu.memory_space<hbm>>
      tpu.enqueue_indirect_dma source(%dma_start3A_24 : memref<10240x128xf32, #tpu.memory_space<hbm>>) target(%arg9 : memref<128x128xf32, #tpu.memory_space<vmem>>) offsets(%dma_start3A_21 : memref<128xi32, #tpu.memory_space<vmem>>) semaphore(%arg11 : memref<!tpu.dma_semaphore, #tpu.memory_space<semaphore_mem>>)
      %dma_wait3A = arith.constant 0 : i32
      %dma_wait3A_25 = tpu.memref_slice %arg7[%scan3A_19, %dma_wait3A] : memref<80x128xi32, #tpu.memory_space<vmem>> -> memref<1x128xi32, #tpu.memory_space<vmem>>
      %dma_wait3A_26 = tpu.memref_squeeze %dma_wait3A_25 : memref<1x128xi32, #tpu.memory_space<vmem>> -> memref<128xi32, #tpu.memory_space<vmem>>
      %dma_wait3A_27 = arith.constant 0 : i32
      %dma_wait3A_28 = arith.constant 0 : i32
      %dma_wait3A_29 = tpu.memref_slice %arg2[%dma_wait3A_27, %dma_wait3A_28] : memref<10240x128xf32, #tpu.memory_space<hbm>> -> memref<10240x128xf32, #tpu.memory_space<hbm>>
      tpu.wait_indirect_dma semaphore(%arg11 : memref<!tpu.dma_semaphore, #tpu.memory_space<semaphore_mem>>) src(%dma_wait3A_29 : memref<10240x128xf32, #tpu.memory_space<hbm>>) dst(%arg9 : memref<128x128xf32, #tpu.memory_space<vmem>>)
      "tpu.region"() ({
        %run_scoped3A = tpu.sem_alloc : memref<!tpu.dma_semaphore, #tpu.memory_space<semaphore_mem>>
        %dma_start3A_30 = arith.constant 0 : i32
        %dma_start3A_31 = tpu.memref_slice %arg8[%scan3A_19, %dma_start3A_30] : memref<80x128xi32, #tpu.memory_space<vmem>> -> memref<1x128xi32, #tpu.memory_space<vmem>>
        %dma_start3A_32 = tpu.memref_squeeze %dma_start3A_31 : memref<1x128xi32, #tpu.memory_space<vmem>> -> memref<128xi32, #tpu.memory_space<vmem>>
        %dma_start3A_33 = arith.constant 0 : i32
        %dma_start3A_34 = arith.constant 0 : i32
        %dma_start3A_35 = tpu.memref_slice %arg10[%dma_start3A_33, %dma_start3A_34] : memref<10240x128xf32, #tpu.memory_space<vmem_shared>> -> memref<10240x128xf32, #tpu.memory_space<vmem_shared>>
        tpu.enqueue_indirect_dma source(%arg9 : memref<128x128xf32, #tpu.memory_space<vmem>>) target(%dma_start3A_35 : memref<10240x128xf32, #tpu.memory_space<vmem_shared>>) offsets(%dma_start3A_32 : memref<128xi32, #tpu.memory_space<vmem>>) semaphore(%run_scoped3A : memref<!tpu.dma_semaphore, #tpu.memory_space<semaphore_mem>>) {add = true}
        %dma_wait3A_36 = arith.constant 0 : i32
        %dma_wait3A_37 = tpu.memref_slice %arg8[%scan3A_19, %dma_wait3A_36] : memref<80x128xi32, #tpu.memory_space<vmem>> -> memref<1x128xi32, #tpu.memory_space<vmem>>
        %dma_wait3A_38 = tpu.memref_squeeze %dma_wait3A_37 : memref<1x128xi32, #tpu.memory_space<vmem>> -> memref<128xi32, #tpu.memory_space<vmem>>
        %dma_wait3A_39 = arith.constant 0 : i32
        %dma_wait3A_40 = arith.constant 0 : i32
        %dma_wait3A_41 = tpu.memref_slice %arg10[%dma_wait3A_39, %dma_wait3A_40] : memref<10240x128xf32, #tpu.memory_space<vmem_shared>> -> memref<10240x128xf32, #tpu.memory_space<vmem_shared>>
        tpu.wait_indirect_dma semaphore(%run_scoped3A : memref<!tpu.dma_semaphore, #tpu.memory_space<semaphore_mem>>) src(%arg9 : memref<128x128xf32, #tpu.memory_space<vmem>>) dst(%dma_wait3A_41 : memref<10240x128xf32, #tpu.memory_space<vmem_shared>>)
        tpu.yield
      }) : () -> ()
    }
    %scan3A_13 = arith.constant 80 : i32
    %barrier3A_14 = arith.constant 0 : index
    tpu.barrier barrier_id(%barrier3A_14)
    %mul3A_15 = arith.constant 640 : i32
    %mul3A_16 = arith.muli %arg1, %mul3A_15 : i32
    %mul3A_17 = arith.constant 640 : i32
    %mul3A_18 = arith.muli %arg1, %mul3A_17 : i32
    "tpu.region"() ({
      %run_scoped3A = tpu.sem_alloc : memref<!tpu.dma_semaphore, #tpu.memory_space<semaphore_mem>>
      %dma_start3A = arith.constant 0 : i32
      %dma_start3A_19 = tpu.memref_slice %arg6[%arg0, %mul3A_18, %dma_start3A] : memref<2x10240x128xf32, #tpu.memory_space<hbm>> -> memref<1x640x128xf32, #tpu.memory_space<hbm>>
      %dma_start3A_20 = tpu.memref_squeeze %dma_start3A_19 : memref<1x640x128xf32, #tpu.memory_space<hbm>> -> memref<640x128xf32, #tpu.memory_space<hbm>>
      %dma_start3A_21 = arith.constant 0 : i32
      %dma_start3A_22 = tpu.memref_slice %arg10[%mul3A_16, %dma_start3A_21] : memref<10240x128xf32, #tpu.memory_space<vmem_shared>> -> memref<640x128xf32, #tpu.memory_space<vmem_shared>>
      tpu.enqueue_dma source(%dma_start3A_22 : memref<640x128xf32, #tpu.memory_space<vmem_shared>>) target(%dma_start3A_20 : memref<640x128xf32, #tpu.memory_space<hbm>>) target_semaphore(%run_scoped3A : memref<!tpu.dma_semaphore, #tpu.memory_space<semaphore_mem>>)
      %dma_wait3A = arith.constant 0 : i32
      %dma_wait3A_23 = tpu.memref_slice %arg6[%arg0, %mul3A_18, %dma_wait3A] : memref<2x10240x128xf32, #tpu.memory_space<hbm>> -> memref<1x640x128xf32, #tpu.memory_space<hbm>>
      %dma_wait3A_24 = tpu.memref_squeeze %dma_wait3A_23 : memref<1x640x128xf32, #tpu.memory_space<hbm>> -> memref<640x128xf32, #tpu.memory_space<hbm>>
      %dma_wait3A_25 = arith.constant 0 : i32
      %dma_wait3A_26 = tpu.memref_slice %arg10[%mul3A_16, %dma_wait3A_25] : memref<10240x128xf32, #tpu.memory_space<vmem_shared>> -> memref<640x128xf32, #tpu.memory_space<vmem_shared>>
      tpu.wait_dma2 semaphore(%run_scoped3A : memref<!tpu.dma_semaphore, #tpu.memory_space<semaphore_mem>>) src(%dma_wait3A_26 : memref<640x128xf32, #tpu.memory_space<vmem_shared>>) dst(%dma_wait3A_24 : memref<640x128xf32, #tpu.memory_space<hbm>>)
      tpu.yield
    }) : () -> ()
    return
  }
}

#map = affine_map<(d0, d1) -> (0, 0)>
#map1 = affine_map<(d0, d1) -> (0, 0, 0)>
module attributes {stable_mosaic.version = 14 : i64} {
  func.func @_sc_agg(%arg0: i32, %arg1: i32, %arg2: memref<10240x128xf32, #tpu.memory_space<hbm>>, %arg3: memref<2560x128xi32, #tpu.memory_space<hbm>>, %arg4: memref<2560x128xi32, #tpu.memory_space<hbm>>, %arg5: memref<10240x128xf32, #tpu.memory_space<hbm>>, %arg6: memref<2x10240x128xf32, #tpu.memory_space<hbm>>, %arg7: memref<80x128xi32, #tpu.memory_space<vmem>>, %arg8: memref<80x128xi32, #tpu.memory_space<vmem>>, %arg9: memref<128x128xf32, #tpu.memory_space<vmem>>, %arg10: memref<10240x128xf32, #tpu.memory_space<vmem_shared>>, %arg11: memref<!tpu.dma_semaphore, #tpu.memory_space<semaphore_mem>>) attributes {dimension_semantics = [#tpu.dimension_semantics<core_parallel>, #tpu.dimension_semantics<subcore_parallel>], iteration_bounds = array<i64: 2, 16>, scalar_prefetch = 0 : i64, scratch_operands = 5 : i64, tpu.core_type = #tpu.core_type<sc_vector_subcore>, window_params = [{transform_indices = #map}, {transform_indices = #map}, {transform_indices = #map}, {transform_indices = #map}, {transform_indices = #map1}]} {
    %mul3A = arith.constant 2 : i32
    %mul3A_0 = arith.muli %arg1, %mul3A : i32
    %add3A = arith.addi %mul3A_0, %arg0 : i32
    %mul3A_1 = arith.constant 640 : i32
    %mul3A_2 = arith.muli %arg1, %mul3A_1 : i32
    %mul3A_3 = arith.constant 640 : i32
    %mul3A_4 = arith.muli %arg1, %mul3A_3 : i32
    "tpu.region"() ({
      %run_scoped3A = tpu.sem_alloc : memref<!tpu.dma_semaphore, #tpu.memory_space<semaphore_mem>>
      %dma_start3A = arith.constant 0 : i32
      %dma_start3A_19 = tpu.memref_slice %arg10[%mul3A_4, %dma_start3A] : memref<10240x128xf32, #tpu.memory_space<vmem_shared>> -> memref<640x128xf32, #tpu.memory_space<vmem_shared>>
      %dma_start3A_20 = arith.constant 0 : i32
      %dma_start3A_21 = tpu.memref_slice %arg5[%mul3A_2, %dma_start3A_20] : memref<10240x128xf32, #tpu.memory_space<hbm>> -> memref<640x128xf32, #tpu.memory_space<hbm>>
      tpu.enqueue_dma source(%dma_start3A_21 : memref<640x128xf32, #tpu.memory_space<hbm>>) target(%dma_start3A_19 : memref<640x128xf32, #tpu.memory_space<vmem_shared>>) target_semaphore(%run_scoped3A : memref<!tpu.dma_semaphore, #tpu.memory_space<semaphore_mem>>)
      %dma_wait3A = arith.constant 0 : i32
      %dma_wait3A_22 = tpu.memref_slice %arg10[%mul3A_4, %dma_wait3A] : memref<10240x128xf32, #tpu.memory_space<vmem_shared>> -> memref<640x128xf32, #tpu.memory_space<vmem_shared>>
      %dma_wait3A_23 = arith.constant 0 : i32
      %dma_wait3A_24 = tpu.memref_slice %arg5[%mul3A_2, %dma_wait3A_23] : memref<10240x128xf32, #tpu.memory_space<hbm>> -> memref<640x128xf32, #tpu.memory_space<hbm>>
      tpu.wait_dma2 semaphore(%run_scoped3A : memref<!tpu.dma_semaphore, #tpu.memory_space<semaphore_mem>>) src(%dma_wait3A_24 : memref<640x128xf32, #tpu.memory_space<hbm>>) dst(%dma_wait3A_22 : memref<640x128xf32, #tpu.memory_space<vmem_shared>>)
      tpu.yield
    }) : () -> ()
    %mul3A_5 = arith.constant 80 : i32
    %mul3A_6 = arith.muli %add3A, %mul3A_5 : i32
    "tpu.region"() ({
      %run_scoped3A = tpu.sem_alloc : memref<!tpu.dma_semaphore, #tpu.memory_space<semaphore_mem>>
      %dma_start3A = arith.constant 0 : i32
      %dma_start3A_19 = tpu.memref_slice %arg3[%mul3A_6, %dma_start3A] : memref<2560x128xi32, #tpu.memory_space<hbm>> -> memref<80x128xi32, #tpu.memory_space<hbm>>
      %dma_start3A_20 = arith.constant 0 : i32
      %dma_start3A_21 = tpu.memref_slice %arg3[%mul3A_6, %dma_start3A_20] : memref<2560x128xi32, #tpu.memory_space<hbm>> -> memref<80x128xi32, #tpu.memory_space<hbm>>
      tpu.enqueue_dma source(%dma_start3A_21 : memref<80x128xi32, #tpu.memory_space<hbm>>) target(%arg7 : memref<80x128xi32, #tpu.memory_space<vmem>>) target_semaphore(%run_scoped3A : memref<!tpu.dma_semaphore, #tpu.memory_space<semaphore_mem>>)
      %dma_wait3A = arith.constant 0 : i32
      %dma_wait3A_22 = tpu.memref_slice %arg3[%mul3A_6, %dma_wait3A] : memref<2560x128xi32, #tpu.memory_space<hbm>> -> memref<80x128xi32, #tpu.memory_space<hbm>>
      %dma_wait3A_23 = arith.constant 0 : i32
      %dma_wait3A_24 = tpu.memref_slice %arg3[%mul3A_6, %dma_wait3A_23] : memref<2560x128xi32, #tpu.memory_space<hbm>> -> memref<80x128xi32, #tpu.memory_space<hbm>>
      tpu.wait_dma2 semaphore(%run_scoped3A : memref<!tpu.dma_semaphore, #tpu.memory_space<semaphore_mem>>) src(%dma_wait3A_24 : memref<80x128xi32, #tpu.memory_space<hbm>>) dst(%arg7 : memref<80x128xi32, #tpu.memory_space<vmem>>)
      tpu.yield
    }) : () -> ()
    %mul3A_7 = arith.constant 80 : i32
    %mul3A_8 = arith.muli %add3A, %mul3A_7 : i32
    "tpu.region"() ({
      %run_scoped3A = tpu.sem_alloc : memref<!tpu.dma_semaphore, #tpu.memory_space<semaphore_mem>>
      %dma_start3A = arith.constant 0 : i32
      %dma_start3A_19 = tpu.memref_slice %arg4[%mul3A_8, %dma_start3A] : memref<2560x128xi32, #tpu.memory_space<hbm>> -> memref<80x128xi32, #tpu.memory_space<hbm>>
      %dma_start3A_20 = arith.constant 0 : i32
      %dma_start3A_21 = tpu.memref_slice %arg4[%mul3A_8, %dma_start3A_20] : memref<2560x128xi32, #tpu.memory_space<hbm>> -> memref<80x128xi32, #tpu.memory_space<hbm>>
      tpu.enqueue_dma source(%dma_start3A_21 : memref<80x128xi32, #tpu.memory_space<hbm>>) target(%arg8 : memref<80x128xi32, #tpu.memory_space<vmem>>) target_semaphore(%run_scoped3A : memref<!tpu.dma_semaphore, #tpu.memory_space<semaphore_mem>>)
      %dma_wait3A = arith.constant 0 : i32
      %dma_wait3A_22 = tpu.memref_slice %arg4[%mul3A_8, %dma_wait3A] : memref<2560x128xi32, #tpu.memory_space<hbm>> -> memref<80x128xi32, #tpu.memory_space<hbm>>
      %dma_wait3A_23 = arith.constant 0 : i32
      %dma_wait3A_24 = tpu.memref_slice %arg4[%mul3A_8, %dma_wait3A_23] : memref<2560x128xi32, #tpu.memory_space<hbm>> -> memref<80x128xi32, #tpu.memory_space<hbm>>
      tpu.wait_dma2 semaphore(%run_scoped3A : memref<!tpu.dma_semaphore, #tpu.memory_space<semaphore_mem>>) src(%dma_wait3A_24 : memref<80x128xi32, #tpu.memory_space<hbm>>) dst(%arg8 : memref<80x128xi32, #tpu.memory_space<vmem>>)
      tpu.yield
    }) : () -> ()
    %barrier3A = arith.constant 0 : index
    tpu.barrier barrier_id(%barrier3A)
    %scan3A = arith.constant 0 : i32
    %scan3A_9 = arith.constant 0 : i32
    %scan3A_10 = arith.constant 80 : i32
    %scan3A_11 = arith.addi %scan3A_9, %scan3A_10 : i32
    %scan3A_12 = arith.constant 1 : i32
    scf.for %scan3A_19 = %scan3A_9 to %scan3A_11 step %scan3A_12  : i32 {
      %dma_start3A = arith.constant 0 : i32
      %dma_start3A_20 = tpu.memref_slice %arg7[%scan3A_19, %dma_start3A] : memref<80x128xi32, #tpu.memory_space<vmem>> -> memref<1x128xi32, #tpu.memory_space<vmem>>
      %dma_start3A_21 = tpu.memref_squeeze %dma_start3A_20 : memref<1x128xi32, #tpu.memory_space<vmem>> -> memref<128xi32, #tpu.memory_space<vmem>>
      %dma_start3A_22 = arith.constant 0 : i32
      %dma_start3A_23 = arith.constant 0 : i32
      %dma_start3A_24 = tpu.memref_slice %arg2[%dma_start3A_22, %dma_start3A_23] : memref<10240x128xf32, #tpu.memory_space<hbm>> -> memref<10240x128xf32, #tpu.memory_space<hbm>>
      tpu.enqueue_indirect_dma source(%dma_start3A_24 : memref<10240x128xf32, #tpu.memory_space<hbm>>) target(%arg9 : memref<128x128xf32, #tpu.memory_space<vmem>>) offsets(%dma_start3A_21 : memref<128xi32, #tpu.memory_space<vmem>>) semaphore(%arg11 : memref<!tpu.dma_semaphore, #tpu.memory_space<semaphore_mem>>)
      %dma_wait3A = arith.constant 0 : i32
      %dma_wait3A_25 = tpu.memref_slice %arg7[%scan3A_19, %dma_wait3A] : memref<80x128xi32, #tpu.memory_space<vmem>> -> memref<1x128xi32, #tpu.memory_space<vmem>>
      %dma_wait3A_26 = tpu.memref_squeeze %dma_wait3A_25 : memref<1x128xi32, #tpu.memory_space<vmem>> -> memref<128xi32, #tpu.memory_space<vmem>>
      %dma_wait3A_27 = arith.constant 0 : i32
      %dma_wait3A_28 = arith.constant 0 : i32
      %dma_wait3A_29 = tpu.memref_slice %arg2[%dma_wait3A_27, %dma_wait3A_28] : memref<10240x128xf32, #tpu.memory_space<hbm>> -> memref<10240x128xf32, #tpu.memory_space<hbm>>
      tpu.wait_indirect_dma semaphore(%arg11 : memref<!tpu.dma_semaphore, #tpu.memory_space<semaphore_mem>>) src(%dma_wait3A_29 : memref<10240x128xf32, #tpu.memory_space<hbm>>) dst(%arg9 : memref<128x128xf32, #tpu.memory_space<vmem>>)
      "tpu.region"() ({
        %run_scoped3A = tpu.sem_alloc : memref<!tpu.dma_semaphore, #tpu.memory_space<semaphore_mem>>
        %dma_start3A_30 = arith.constant 0 : i32
        %dma_start3A_31 = tpu.memref_slice %arg8[%scan3A_19, %dma_start3A_30] : memref<80x128xi32, #tpu.memory_space<vmem>> -> memref<1x128xi32, #tpu.memory_space<vmem>>
        %dma_start3A_32 = tpu.memref_squeeze %dma_start3A_31 : memref<1x128xi32, #tpu.memory_space<vmem>> -> memref<128xi32, #tpu.memory_space<vmem>>
        %dma_start3A_33 = arith.constant 0 : i32
        %dma_start3A_34 = arith.constant 0 : i32
        %dma_start3A_35 = tpu.memref_slice %arg10[%dma_start3A_33, %dma_start3A_34] : memref<10240x128xf32, #tpu.memory_space<vmem_shared>> -> memref<10240x128xf32, #tpu.memory_space<vmem_shared>>
        tpu.enqueue_indirect_dma source(%arg9 : memref<128x128xf32, #tpu.memory_space<vmem>>) target(%dma_start3A_35 : memref<10240x128xf32, #tpu.memory_space<vmem_shared>>) offsets(%dma_start3A_32 : memref<128xi32, #tpu.memory_space<vmem>>) semaphore(%run_scoped3A : memref<!tpu.dma_semaphore, #tpu.memory_space<semaphore_mem>>) {add = true}
        %dma_wait3A_36 = arith.constant 0 : i32
        %dma_wait3A_37 = tpu.memref_slice %arg8[%scan3A_19, %dma_wait3A_36] : memref<80x128xi32, #tpu.memory_space<vmem>> -> memref<1x128xi32, #tpu.memory_space<vmem>>
        %dma_wait3A_38 = tpu.memref_squeeze %dma_wait3A_37 : memref<1x128xi32, #tpu.memory_space<vmem>> -> memref<128xi32, #tpu.memory_space<vmem>>
        %dma_wait3A_39 = arith.constant 0 : i32
        %dma_wait3A_40 = arith.constant 0 : i32
        %dma_wait3A_41 = tpu.memref_slice %arg10[%dma_wait3A_39, %dma_wait3A_40] : memref<10240x128xf32, #tpu.memory_space<vmem_shared>> -> memref<10240x128xf32, #tpu.memory_space<vmem_shared>>
        tpu.wait_indirect_dma semaphore(%run_scoped3A : memref<!tpu.dma_semaphore, #tpu.memory_space<semaphore_mem>>) src(%arg9 : memref<128x128xf32, #tpu.memory_space<vmem>>) dst(%dma_wait3A_41 : memref<10240x128xf32, #tpu.memory_space<vmem_shared>>)
        tpu.yield
      }) : () -> ()
    }
    %scan3A_13 = arith.constant 80 : i32
    %barrier3A_14 = arith.constant 0 : index
    tpu.barrier barrier_id(%barrier3A_14)
    %mul3A_15 = arith.constant 640 : i32
    %mul3A_16 = arith.muli %arg1, %mul3A_15 : i32
    %mul3A_17 = arith.constant 640 : i32
    %mul3A_18 = arith.muli %arg1, %mul3A_17 : i32
    "tpu.region"() ({
      %run_scoped3A = tpu.sem_alloc : memref<!tpu.dma_semaphore, #tpu.memory_space<semaphore_mem>>
      %dma_start3A = arith.constant 0 : i32
      %dma_start3A_19 = tpu.memref_slice %arg6[%arg0, %mul3A_18, %dma_start3A] : memref<2x10240x128xf32, #tpu.memory_space<hbm>> -> memref<1x640x128xf32, #tpu.memory_space<hbm>>
      %dma_start3A_20 = tpu.memref_squeeze %dma_start3A_19 : memref<1x640x128xf32, #tpu.memory_space<hbm>> -> memref<640x128xf32, #tpu.memory_space<hbm>>
      %dma_start3A_21 = arith.constant 0 : i32
      %dma_start3A_22 = tpu.memref_slice %arg10[%mul3A_16, %dma_start3A_21] : memref<10240x128xf32, #tpu.memory_space<vmem_shared>> -> memref<640x128xf32, #tpu.memory_space<vmem_shared>>
      tpu.enqueue_dma source(%dma_start3A_22 : memref<640x128xf32, #tpu.memory_space<vmem_shared>>) target(%dma_start3A_20 : memref<640x128xf32, #tpu.memory_space<hbm>>) target_semaphore(%run_scoped3A : memref<!tpu.dma_semaphore, #tpu.memory_space<semaphore_mem>>)
      %dma_wait3A = arith.constant 0 : i32
      %dma_wait3A_23 = tpu.memref_slice %arg6[%arg0, %mul3A_18, %dma_wait3A] : memref<2x10240x128xf32, #tpu.memory_space<hbm>> -> memref<1x640x128xf32, #tpu.memory_space<hbm>>
      %dma_wait3A_24 = tpu.memref_squeeze %dma_wait3A_23 : memref<1x640x128xf32, #tpu.memory_space<hbm>> -> memref<640x128xf32, #tpu.memory_space<hbm>>
      %dma_wait3A_25 = arith.constant 0 : i32
      %dma_wait3A_26 = tpu.memref_slice %arg10[%mul3A_16, %dma_wait3A_25] : memref<10240x128xf32, #tpu.memory_space<vmem_shared>> -> memref<640x128xf32, #tpu.memory_space<vmem_shared>>
      tpu.wait_dma2 semaphore(%run_scoped3A : memref<!tpu.dma_semaphore, #tpu.memory_space<semaphore_mem>>) src(%dma_wait3A_26 : memref<640x128xf32, #tpu.memory_space<vmem_shared>>) dst(%dma_wait3A_24 : memref<640x128xf32, #tpu.memory_space<hbm>>)
      tpu.yield
    }) : () -> ()
    return
  }
}

module attributes {stable_mosaic.version = 14 : i64} {
  func.func @_dense_mean_body(%arg0: i32, %arg1: memref<2x1024x128xf32, #tpu.memory_space<vmem>>, %arg2: memref<2x1024x1xf32, #tpu.memory_space<vmem>>, %arg3: memref<1024x128xf32, #tpu.memory_space<vmem>>, %arg4: memref<128x128xf32, #tpu.memory_space<vmem>>, %arg5: memref<128x128xf32, #tpu.memory_space<vmem>>, %arg6: memref<1x128xf32, #tpu.memory_space<vmem>>, %arg7: memref<1024x128xf32, #tpu.memory_space<vmem>>) attributes {dimension_semantics = [#tpu.dimension_semantics<arbitrary>], iteration_bounds = array<i64: 10>, scalar_prefetch = 0 : i64, scratch_operands = 0 : i64, tpu.core_type = #tpu.core_type<tc>, window_params = [{transform_indices = @transform_0, window_bounds = array<i64: 2, 1024, 128>}, {transform_indices = @transform_1, window_bounds = array<i64: 2, 1024, 1>}, {transform_indices = @transform_2, window_bounds = array<i64: 1024, 128>}, {pipeline_mode = #tpu.pipeline_mode<synchronous>, transform_indices = @transform_3, window_bounds = array<i64: 128, 128>}, {pipeline_mode = #tpu.pipeline_mode<synchronous>, transform_indices = @transform_4, window_bounds = array<i64: 128, 128>}, {pipeline_mode = #tpu.pipeline_mode<synchronous>, transform_indices = @transform_5, window_bounds = array<i64: 1, 128>}, {transform_indices = @transform_6, window_bounds = array<i64: 1024, 128>}]} {
    %get3A = arith.constant 0 : index
    %get3A_0 = arith.constant 0 : index
    %get3A_1 = arith.constant 0 : index
    %get3A_2 = vector.load %arg1[%get3A, %get3A_0, %get3A_1] : memref<2x1024x128xf32, #tpu.memory_space<vmem>>, vector<1x1024x128xf32>
    %get3A_3 = vector.shape_cast %get3A_2 : vector<1x1024x128xf32> to vector<1024x128xf32>
    %get3A_4 = arith.constant 1 : index
    %get3A_5 = arith.constant 0 : index
    %get3A_6 = arith.constant 0 : index
    %get3A_7 = vector.load %arg1[%get3A_4, %get3A_5, %get3A_6] : memref<2x1024x128xf32, #tpu.memory_space<vmem>>, vector<1x1024x128xf32>
    %get3A_8 = vector.shape_cast %get3A_7 : vector<1x1024x128xf32> to vector<1024x128xf32>
    %add3A = arith.addf %get3A_3, %get3A_8 : vector<1024x128xf32>
    %get3A_9 = arith.constant 0 : index
    %get3A_10 = arith.constant 0 : index
    %get3A_11 = arith.constant 0 : index
    %get3A_12 = vector.load %arg2[%get3A_9, %get3A_10, %get3A_11] : memref<2x1024x1xf32, #tpu.memory_space<vmem>>, vector<1x1024x1xf32>
    %get3A_13 = vector.shape_cast %get3A_12 : vector<1x1024x1xf32> to vector<1024x1xf32>
    %get3A_14 = arith.constant 1 : index
    %get3A_15 = arith.constant 0 : index
    %get3A_16 = arith.constant 0 : index
    %get3A_17 = vector.load %arg2[%get3A_14, %get3A_15, %get3A_16] : memref<2x1024x1xf32, #tpu.memory_space<vmem>>, vector<1x1024x1xf32>
    %get3A_18 = vector.shape_cast %get3A_17 : vector<1x1024x1xf32> to vector<1024x1xf32>
    %add3A_19 = arith.addf %get3A_13, %get3A_18 : vector<1024x1xf32>
    %max3A = arith.constant 1.000000e+00 : f32
    %max3A_20 = vector.broadcast %max3A : f32 to vector<1024x1xf32>
    %max3A_21 = arith.maximumf %add3A_19, %max3A_20 : vector<1024x1xf32>
    %div3A = vector.broadcast %max3A_21 : vector<1024x1xf32> to vector<1024x128xf32>
    %div3A_22 = arith.divf %add3A, %div3A : vector<1024x128xf32>
    %get3A_23 = arith.constant 0 : index
    %get3A_24 = arith.constant 0 : index
    %get3A_25 = vector.load %arg4[%get3A_23, %get3A_24] : memref<128x128xf32, #tpu.memory_space<vmem>>, vector<128x128xf32>
    %dot_general3A = arith.constant dense<0.000000e+00> : vector<1024x128xf32>
    %dot_general3A_26 = tpu.matmul %div3A_22, %get3A_25, %dot_general3A {dimension_numbers = #tpu.dot_dimension_numbers<[1], [0], [0], [1], [0, 0, 1, 1], [], []>, transpose_lhs_hint = false} : vector<1024x128xf32>, vector<128x128xf32>, vector<1024x128xf32> -> vector<1024x128xf32>
    %get3A_27 = arith.constant 0 : index
    %get3A_28 = arith.constant 0 : index
    %get3A_29 = vector.load %arg3[%get3A_27, %get3A_28] : memref<1024x128xf32, #tpu.memory_space<vmem>>, vector<1024x128xf32>
    %get3A_30 = arith.constant 0 : index
    %get3A_31 = arith.constant 0 : index
    %get3A_32 = vector.load %arg5[%get3A_30, %get3A_31] : memref<128x128xf32, #tpu.memory_space<vmem>>, vector<128x128xf32>
    %dot_general3A_33 = arith.constant dense<0.000000e+00> : vector<1024x128xf32>
    %dot_general3A_34 = tpu.matmul %get3A_29, %get3A_32, %dot_general3A_33 {dimension_numbers = #tpu.dot_dimension_numbers<[1], [0], [0], [1], [0, 0, 1, 1], [], []>, transpose_lhs_hint = false} : vector<1024x128xf32>, vector<128x128xf32>, vector<1024x128xf32> -> vector<1024x128xf32>
    %add3A_35 = arith.addf %dot_general3A_26, %dot_general3A_34 : vector<1024x128xf32>
    %get3A_36 = arith.constant 0 : index
    %get3A_37 = arith.constant 0 : index
    %get3A_38 = vector.load %arg6[%get3A_36, %get3A_37] : memref<1x128xf32, #tpu.memory_space<vmem>>, vector<1x128xf32>
    %add3A_39 = vector.broadcast %get3A_38 : vector<1x128xf32> to vector<1024x128xf32>
    %add3A_40 = arith.addf %add3A_35, %add3A_39 : vector<1024x128xf32>
    %max3A_41 = arith.constant 0.000000e+00 : f32
    %max3A_42 = vector.broadcast %max3A_41 : f32 to vector<1024x128xf32>
    %max3A_43 = arith.maximumf %add3A_40, %max3A_42 : vector<1024x128xf32>
    %swap3A = arith.constant 0 : index
    %swap3A_44 = arith.constant 0 : index
    %swap3A_45 = vector.load %arg7[%swap3A, %swap3A_44] : memref<1024x128xf32, #tpu.memory_space<vmem>>, vector<1024x128xf32>
    tpu.vector_store %arg7[%swap3A, %swap3A_44], %max3A_43 {strides = array<i32>} : memref<1024x128xf32, #tpu.memory_space<vmem>>, vector<1024x128xf32>,
    return
  }
  func.func @transform_0(%arg0: i32) -> (i32, i32, i32) {
    %c0_i32 = arith.constant 0 : i32
    %c0_i32_0 = arith.constant 0 : i32
    %c0_i32_1 = arith.constant 0 : i32
    return %c0_i32, %arg0, %c0_i32_0 : i32, i32, i32
  }
  func.func @transform_1(%arg0: i32) -> (i32, i32, i32) {
    %c0_i32 = arith.constant 0 : i32
    %c0_i32_0 = arith.constant 0 : i32
    %c0_i32_1 = arith.constant 0 : i32
    return %c0_i32, %arg0, %c0_i32_0 : i32, i32, i32
  }
  func.func @transform_2(%arg0: i32) -> (i32, i32) {
    %c0_i32 = arith.constant 0 : i32
    %c0_i32_0 = arith.constant 0 : i32
    return %arg0, %c0_i32 : i32, i32
  }
  func.func @transform_3(%arg0: i32) -> (i32, i32) {
    %c0_i32 = arith.constant 0 : i32
    %c0_i32_0 = arith.constant 0 : i32
    %c0_i32_1 = arith.constant 0 : i32
    return %c0_i32, %c0_i32_0 : i32, i32
  }
  func.func @transform_4(%arg0: i32) -> (i32, i32) {
    %c0_i32 = arith.constant 0 : i32
    %c0_i32_0 = arith.constant 0 : i32
    %c0_i32_1 = arith.constant 0 : i32
    return %c0_i32, %c0_i32_0 : i32, i32
  }
  func.func @transform_5(%arg0: i32) -> (i32, i32) {
    %c0_i32 = arith.constant 0 : i32
    %c0_i32_0 = arith.constant 0 : i32
    %c0_i32_1 = arith.constant 0 : i32
    return %c0_i32, %c0_i32_0 : i32, i32
  }
  func.func @transform_6(%arg0: i32) -> (i32, i32) {
    %c0_i32 = arith.constant 0 : i32
    %c0_i32_0 = arith.constant 0 : i32
    return %arg0, %c0_i32 : i32, i32
  }
}

module attributes {stable_mosaic.version = 14 : i64} {
  func.func @_sage_jk_pool_body(%arg0: i32, %arg1: memref<2x1024x128xf32, #tpu.memory_space<vmem>>, %arg2: memref<2x1024x1xf32, #tpu.memory_space<vmem>>, %arg3: memref<1024x128xf32, #tpu.memory_space<vmem>>, %arg4: memref<128x128xf32, #tpu.memory_space<vmem>>, %arg5: memref<128x128xf32, #tpu.memory_space<vmem>>, %arg6: memref<1x128xf32, #tpu.memory_space<vmem>>, %arg7: memref<128x128xf32, #tpu.memory_space<vmem>>, %arg8: memref<128x128xf32, #tpu.memory_space<vmem>>, %arg9: memref<1x128xf32, #tpu.memory_space<vmem>>, %arg10: memref<1024x1xi32, #tpu.memory_space<vmem>>, %arg11: memref<1024x128xf32, #tpu.memory_space<vmem>>, %arg12: memref<64x128xf32, #tpu.memory_space<vmem>>) attributes {dimension_semantics = [#tpu.dimension_semantics<arbitrary>], iteration_bounds = array<i64: 10>, scalar_prefetch = 0 : i64, scratch_operands = 0 : i64, tpu.core_type = #tpu.core_type<tc>, window_params = [{transform_indices = @transform_0, window_bounds = array<i64: 2, 1024, 128>}, {transform_indices = @transform_1, window_bounds = array<i64: 2, 1024, 1>}, {transform_indices = @transform_2, window_bounds = array<i64: 1024, 128>}, {pipeline_mode = #tpu.pipeline_mode<synchronous>, transform_indices = @transform_3, window_bounds = array<i64: 128, 128>}, {pipeline_mode = #tpu.pipeline_mode<synchronous>, transform_indices = @transform_4, window_bounds = array<i64: 128, 128>}, {pipeline_mode = #tpu.pipeline_mode<synchronous>, transform_indices = @transform_5, window_bounds = array<i64: 1, 128>}, {pipeline_mode = #tpu.pipeline_mode<synchronous>, transform_indices = @transform_6, window_bounds = array<i64: 128, 128>}, {pipeline_mode = #tpu.pipeline_mode<synchronous>, transform_indices = @transform_7, window_bounds = array<i64: 128, 128>}, {pipeline_mode = #tpu.pipeline_mode<synchronous>, transform_indices = @transform_8, window_bounds = array<i64: 1, 128>}, {transform_indices = @transform_9, window_bounds = array<i64: 1024, 1>}, {transform_indices = @transform_10, window_bounds = array<i64: 1024, 128>}, {pipeline_mode = #tpu.pipeline_mode<synchronous>, transform_indices = @transform_11, window_bounds = array<i64: 64, 128>}]} {
    %get3A = arith.constant 0 : index
    %get3A_0 = arith.constant 0 : index
    %get3A_1 = arith.constant 0 : index
    %get3A_2 = vector.load %arg1[%get3A, %get3A_0, %get3A_1] : memref<2x1024x128xf32, #tpu.memory_space<vmem>>, vector<1x1024x128xf32>
    %get3A_3 = vector.shape_cast %get3A_2 : vector<1x1024x128xf32> to vector<1024x128xf32>
    %get3A_4 = arith.constant 1 : index
    %get3A_5 = arith.constant 0 : index
    %get3A_6 = arith.constant 0 : index
    %get3A_7 = vector.load %arg1[%get3A_4, %get3A_5, %get3A_6] : memref<2x1024x128xf32, #tpu.memory_space<vmem>>, vector<1x1024x128xf32>
    %get3A_8 = vector.shape_cast %get3A_7 : vector<1x1024x128xf32> to vector<1024x128xf32>
    %add3A = arith.addf %get3A_3, %get3A_8 : vector<1024x128xf32>
    %get3A_9 = arith.constant 0 : index
    %get3A_10 = arith.constant 0 : index
    %get3A_11 = arith.constant 0 : index
    %get3A_12 = vector.load %arg2[%get3A_9, %get3A_10, %get3A_11] : memref<2x1024x1xf32, #tpu.memory_space<vmem>>, vector<1x1024x1xf32>
    %get3A_13 = vector.shape_cast %get3A_12 : vector<1x1024x1xf32> to vector<1024x1xf32>
    %get3A_14 = arith.constant 1 : index
    %get3A_15 = arith.constant 0 : index
    %get3A_16 = arith.constant 0 : index
    %get3A_17 = vector.load %arg2[%get3A_14, %get3A_15, %get3A_16] : memref<2x1024x1xf32, #tpu.memory_space<vmem>>, vector<1x1024x1xf32>
    %get3A_18 = vector.shape_cast %get3A_17 : vector<1x1024x1xf32> to vector<1024x1xf32>
    %add3A_19 = arith.addf %get3A_13, %get3A_18 : vector<1024x1xf32>
    %max3A = arith.constant 1.000000e+00 : f32
    %max3A_20 = vector.broadcast %max3A : f32 to vector<1024x1xf32>
    %max3A_21 = arith.maximumf %add3A_19, %max3A_20 : vector<1024x1xf32>
    %div3A = vector.broadcast %max3A_21 : vector<1024x1xf32> to vector<1024x128xf32>
    %div3A_22 = arith.divf %add3A, %div3A : vector<1024x128xf32>
    %get3A_23 = arith.constant 0 : index
    %get3A_24 = arith.constant 0 : index
    %get3A_25 = vector.load %arg3[%get3A_23, %get3A_24] : memref<1024x128xf32, #tpu.memory_space<vmem>>, vector<1024x128xf32>
    %get3A_26 = arith.constant 0 : index
    %get3A_27 = arith.constant 0 : index
    %get3A_28 = vector.load %arg4[%get3A_26, %get3A_27] : memref<128x128xf32, #tpu.memory_space<vmem>>, vector<128x128xf32>
    %dot_general3A = arith.constant dense<0.000000e+00> : vector<1024x128xf32>
    %dot_general3A_29 = tpu.matmul %div3A_22, %get3A_28, %dot_general3A {dimension_numbers = #tpu.dot_dimension_numbers<[1], [0], [0], [1], [0, 0, 1, 1], [], []>, transpose_lhs_hint = false} : vector<1024x128xf32>, vector<128x128xf32>, vector<1024x128xf32> -> vector<1024x128xf32>
    %get3A_30 = arith.constant 0 : index
    %get3A_31 = arith.constant 0 : index
    %get3A_32 = vector.load %arg5[%get3A_30, %get3A_31] : memref<128x128xf32, #tpu.memory_space<vmem>>, vector<128x128xf32>
    %dot_general3A_33 = arith.constant dense<0.000000e+00> : vector<1024x128xf32>
    %dot_general3A_34 = tpu.matmul %get3A_25, %get3A_32, %dot_general3A_33 {dimension_numbers = #tpu.dot_dimension_numbers<[1], [0], [0], [1], [0, 0, 1, 1], [], []>, transpose_lhs_hint = false} : vector<1024x128xf32>, vector<128x128xf32>, vector<1024x128xf32> -> vector<1024x128xf32>
    %add3A_35 = arith.addf %dot_general3A_29, %dot_general3A_34 : vector<1024x128xf32>
    %get3A_36 = arith.constant 0 : index
    %get3A_37 = arith.constant 0 : index
    %get3A_38 = vector.load %arg6[%get3A_36, %get3A_37] : memref<1x128xf32, #tpu.memory_space<vmem>>, vector<1x128xf32>
    %add3A_39 = vector.broadcast %get3A_38 : vector<1x128xf32> to vector<1024x128xf32>
    %add3A_40 = arith.addf %add3A_35, %add3A_39 : vector<1024x128xf32>
    %max3A_41 = arith.constant 0.000000e+00 : f32
    %max3A_42 = vector.broadcast %max3A_41 : f32 to vector<1024x128xf32>
    %max3A_43 = arith.maximumf %add3A_40, %max3A_42 : vector<1024x128xf32>
    %get3A_44 = arith.constant 0 : index
    %get3A_45 = arith.constant 0 : index
    %get3A_46 = vector.load %arg7[%get3A_44, %get3A_45] : memref<128x128xf32, #tpu.memory_space<vmem>>, vector<128x128xf32>
    %dot_general3A_47 = arith.constant dense<0.000000e+00> : vector<1024x128xf32>
    %dot_general3A_48 = tpu.matmul %get3A_25, %get3A_46, %dot_general3A_47 {dimension_numbers = #tpu.dot_dimension_numbers<[1], [0], [0], [1], [0, 0, 1, 1], [], []>, transpose_lhs_hint = false} : vector<1024x128xf32>, vector<128x128xf32>, vector<1024x128xf32> -> vector<1024x128xf32>
    %get3A_49 = arith.constant 0 : index
    %get3A_50 = arith.constant 0 : index
    %get3A_51 = vector.load %arg8[%get3A_49, %get3A_50] : memref<128x128xf32, #tpu.memory_space<vmem>>, vector<128x128xf32>
    %dot_general3A_52 = arith.constant dense<0.000000e+00> : vector<1024x128xf32>
    %dot_general3A_53 = tpu.matmul %max3A_43, %get3A_51, %dot_general3A_52 {dimension_numbers = #tpu.dot_dimension_numbers<[1], [0], [0], [1], [0, 0, 1, 1], [], []>, transpose_lhs_hint = false} : vector<1024x128xf32>, vector<128x128xf32>, vector<1024x128xf32> -> vector<1024x128xf32>
    %add3A_54 = arith.addf %dot_general3A_48, %dot_general3A_53 : vector<1024x128xf32>
    %get3A_55 = arith.constant 0 : index
    %get3A_56 = arith.constant 0 : index
    %get3A_57 = vector.load %arg9[%get3A_55, %get3A_56] : memref<1x128xf32, #tpu.memory_space<vmem>>, vector<1x128xf32>
    %add3A_58 = vector.broadcast %get3A_57 : vector<1x128xf32> to vector<1024x128xf32>
    %add3A_59 = arith.addf %add3A_54, %add3A_58 : vector<1024x128xf32>
    %max3A_60 = arith.constant 0.000000e+00 : f32
    %max3A_61 = vector.broadcast %max3A_60 : f32 to vector<1024x128xf32>
    %max3A_62 = arith.maximumf %add3A_59, %max3A_61 : vector<1024x128xf32>
    %swap3A = arith.constant 0 : index
    %swap3A_63 = arith.constant 0 : index
    %swap3A_64 = vector.load %arg11[%swap3A, %swap3A_63] : memref<1024x128xf32, #tpu.memory_space<vmem>>, vector<1024x128xf32>
    tpu.vector_store %arg11[%swap3A, %swap3A_63], %max3A_62 {strides = array<i32>} : memref<1024x128xf32, #tpu.memory_space<vmem>>, vector<1024x128xf32>,
    %eq3A = arith.constant 0 : i32
    %eq3A_65 = arith.cmpi eq, %arg0, %eq3A : i32
    %convert_element_type3A = arith.extui %eq3A_65 : i1 to i32
    %cond3A = arith.constant 0 : i32
    %cond3A_66 = arith.cmpi ne, %convert_element_type3A, %cond3A : i32
    scf.if %cond3A_66 {
      %broadcast_in_dim3A = arith.constant 0.000000e+00 : f32
      %broadcast_in_dim3A_83 = vector.broadcast %broadcast_in_dim3A : f32 to vector<64x128xf32>
      %swap3A_84 = arith.constant 0 : index
      %swap3A_85 = arith.constant 0 : index
      %swap3A_86 = vector.load %arg12[%swap3A_84, %swap3A_85] : memref<64x128xf32, #tpu.memory_space<vmem>>, vector<64x128xf32>
      tpu.vector_store %arg12[%swap3A_84, %swap3A_85], %broadcast_in_dim3A_83 {strides = array<i32>} : memref<64x128xf32, #tpu.memory_space<vmem>>, vector<64x128xf32>,
    } else {
    }
    %get3A_67 = arith.constant 0 : index
    %get3A_68 = arith.constant 0 : index
    %get3A_69 = vector.load %arg10[%get3A_67, %get3A_68] : memref<1024x1xi32, #tpu.memory_space<vmem>>, vector<1024x1xi32>
    %iota3A = tpu.iota {dimensions = array<i32: 1>} : vector<1024x64xi32>
    %eq3A_70 = vector.broadcast %get3A_69 : vector<1024x1xi32> to vector<1024x64xi32>
    %eq3A_71 = arith.cmpi eq, %eq3A_70, %iota3A : vector<1024x64xi32>
    %convert_element_type3A_72 = arith.extui %eq3A_71 : vector<1024x64xi1> to vector<1024x64xi32>
    %convert_element_type3A_73 = arith.sitofp %convert_element_type3A_72 : vector<1024x64xi32> to vector<1024x64xf32>
    %get3A_74 = arith.constant 0 : index
    %get3A_75 = arith.constant 0 : index
    %get3A_76 = vector.load %arg12[%get3A_74, %get3A_75] : memref<64x128xf32, #tpu.memory_space<vmem>>, vector<64x128xf32>
    %dot_general3A_77 = arith.constant dense<0.000000e+00> : vector<64x128xf32>
    %dot_general3A_78 = tpu.matmul %convert_element_type3A_73, %max3A_62, %dot_general3A_77 {dimension_numbers = #tpu.dot_dimension_numbers<[0], [0], [1], [1], [0, 1, 1, 1], [], []>, transpose_lhs_hint = false} : vector<1024x64xf32>, vector<1024x128xf32>, vector<64x128xf32> -> vector<64x128xf32>
    %add3A_79 = arith.addf %get3A_76, %dot_general3A_78 : vector<64x128xf32>
    %swap3A_80 = arith.constant 0 : index
    %swap3A_81 = arith.constant 0 : index
    %swap3A_82 = vector.load %arg12[%swap3A_80, %swap3A_81] : memref<64x128xf32, #tpu.memory_space<vmem>>, vector<64x128xf32>
    tpu.vector_store %arg12[%swap3A_80, %swap3A_81], %add3A_79 {strides = array<i32>} : memref<64x128xf32, #tpu.memory_space<vmem>>, vector<64x128xf32>,
    return
  }
  func.func @transform_0(%arg0: i32) -> (i32, i32, i32) {
    %c0_i32 = arith.constant 0 : i32
    %c0_i32_0 = arith.constant 0 : i32
    %c0_i32_1 = arith.constant 0 : i32
    return %c0_i32, %arg0, %c0_i32_0 : i32, i32, i32
  }
  func.func @transform_1(%arg0: i32) -> (i32, i32, i32) {
    %c0_i32 = arith.constant 0 : i32
    %c0_i32_0 = arith.constant 0 : i32
    %c0_i32_1 = arith.constant 0 : i32
    return %c0_i32, %arg0, %c0_i32_0 : i32, i32, i32
  }
  func.func @transform_2(%arg0: i32) -> (i32, i32) {
    %c0_i32 = arith.constant 0 : i32
    %c0_i32_0 = arith.constant 0 : i32
    return %arg0, %c0_i32 : i32, i32
  }
  func.func @transform_3(%arg0: i32) -> (i32, i32) {
    %c0_i32 = arith.constant 0 : i32
    %c0_i32_0 = arith.constant 0 : i32
    %c0_i32_1 = arith.constant 0 : i32
    return %c0_i32, %c0_i32_0 : i32, i32
  }
  func.func @transform_4(%arg0: i32) -> (i32, i32) {
    %c0_i32 = arith.constant 0 : i32
    %c0_i32_0 = arith.constant 0 : i32
    %c0_i32_1 = arith.constant 0 : i32
    return %c0_i32, %c0_i32_0 : i32, i32
  }
  func.func @transform_5(%arg0: i32) -> (i32, i32) {
    %c0_i32 = arith.constant 0 : i32
    %c0_i32_0 = arith.constant 0 : i32
    %c0_i32_1 = arith.constant 0 : i32
    return %c0_i32, %c0_i32_0 : i32, i32
  }
  func.func @transform_6(%arg0: i32) -> (i32, i32) {
    %c0_i32 = arith.constant 0 : i32
    %c0_i32_0 = arith.constant 0 : i32
    %c0_i32_1 = arith.constant 0 : i32
    return %c0_i32, %c0_i32_0 : i32, i32
  }
  func.func @transform_7(%arg0: i32) -> (i32, i32) {
    %c0_i32 = arith.constant 0 : i32
    %c0_i32_0 = arith.constant 0 : i32
    %c0_i32_1 = arith.constant 0 : i32
    return %c0_i32, %c0_i32_0 : i32, i32
  }
  func.func @transform_8(%arg0: i32) -> (i32, i32) {
    %c0_i32 = arith.constant 0 : i32
    %c0_i32_0 = arith.constant 0 : i32
    %c0_i32_1 = arith.constant 0 : i32
    return %c0_i32, %c0_i32_0 : i32, i32
  }
  func.func @transform_9(%arg0: i32) -> (i32, i32) {
    %c0_i32 = arith.constant 0 : i32
    %c0_i32_0 = arith.constant 0 : i32
    return %arg0, %c0_i32 : i32, i32
  }
  func.func @transform_10(%arg0: i32) -> (i32, i32) {
    %c0_i32 = arith.constant 0 : i32
    %c0_i32_0 = arith.constant 0 : i32
    return %arg0, %c0_i32 : i32, i32
  }
  func.func @transform_11(%arg0: i32) -> (i32, i32) {
    %c0_i32 = arith.constant 0 : i32
    %c0_i32_0 = arith.constant 0 : i32
    %c0_i32_1 = arith.constant 0 : i32
    return %c0_i32, %c0_i32_0 : i32, i32
  }
}

module attributes {stable_mosaic.version = 14 : i64} {
  func.func @_sage_jk_pool_body(%arg0: i32, %arg1: memref<2x1024x128xf32, #tpu.memory_space<vmem>>, %arg2: memref<2x1024x1xf32, #tpu.memory_space<vmem>>, %arg3: memref<1024x128xf32, #tpu.memory_space<vmem>>, %arg4: memref<128x128xf32, #tpu.memory_space<vmem>>, %arg5: memref<128x128xf32, #tpu.memory_space<vmem>>, %arg6: memref<1x128xf32, #tpu.memory_space<vmem>>, %arg7: memref<128x128xf32, #tpu.memory_space<vmem>>, %arg8: memref<128x128xf32, #tpu.memory_space<vmem>>, %arg9: memref<1x128xf32, #tpu.memory_space<vmem>>, %arg10: memref<1024x1xi32, #tpu.memory_space<vmem>>, %arg11: memref<1024x128xf32, #tpu.memory_space<vmem>>, %arg12: memref<64x128xf32, #tpu.memory_space<vmem>>) attributes {dimension_semantics = [#tpu.dimension_semantics<arbitrary>], iteration_bounds = array<i64: 10>, scalar_prefetch = 0 : i64, scratch_operands = 0 : i64, tpu.core_type = #tpu.core_type<tc>, window_params = [{transform_indices = @transform_0, window_bounds = array<i64: 2, 1024, 128>}, {transform_indices = @transform_1, window_bounds = array<i64: 2, 1024, 1>}, {transform_indices = @transform_2, window_bounds = array<i64: 1024, 128>}, {pipeline_mode = #tpu.pipeline_mode<synchronous>, transform_indices = @transform_3, window_bounds = array<i64: 128, 128>}, {pipeline_mode = #tpu.pipeline_mode<synchronous>, transform_indices = @transform_4, window_bounds = array<i64: 128, 128>}, {pipeline_mode = #tpu.pipeline_mode<synchronous>, transform_indices = @transform_5, window_bounds = array<i64: 1, 128>}, {pipeline_mode = #tpu.pipeline_mode<synchronous>, transform_indices = @transform_6, window_bounds = array<i64: 128, 128>}, {pipeline_mode = #tpu.pipeline_mode<synchronous>, transform_indices = @transform_7, window_bounds = array<i64: 128, 128>}, {pipeline_mode = #tpu.pipeline_mode<synchronous>, transform_indices = @transform_8, window_bounds = array<i64: 1, 128>}, {transform_indices = @transform_9, window_bounds = array<i64: 1024, 1>}, {transform_indices = @transform_10, window_bounds = array<i64: 1024, 128>}, {pipeline_mode = #tpu.pipeline_mode<synchronous>, transform_indices = @transform_11, window_bounds = array<i64: 64, 128>}]} {
    %get3A = arith.constant 0 : index
    %get3A_0 = arith.constant 0 : index
    %get3A_1 = arith.constant 0 : index
    %get3A_2 = vector.load %arg1[%get3A, %get3A_0, %get3A_1] : memref<2x1024x128xf32, #tpu.memory_space<vmem>>, vector<1x1024x128xf32>
    %get3A_3 = vector.shape_cast %get3A_2 : vector<1x1024x128xf32> to vector<1024x128xf32>
    %get3A_4 = arith.constant 1 : index
    %get3A_5 = arith.constant 0 : index
    %get3A_6 = arith.constant 0 : index
    %get3A_7 = vector.load %arg1[%get3A_4, %get3A_5, %get3A_6] : memref<2x1024x128xf32, #tpu.memory_space<vmem>>, vector<1x1024x128xf32>
    %get3A_8 = vector.shape_cast %get3A_7 : vector<1x1024x128xf32> to vector<1024x128xf32>
    %add3A = arith.addf %get3A_3, %get3A_8 : vector<1024x128xf32>
    %get3A_9 = arith.constant 0 : index
    %get3A_10 = arith.constant 0 : index
    %get3A_11 = arith.constant 0 : index
    %get3A_12 = vector.load %arg2[%get3A_9, %get3A_10, %get3A_11] : memref<2x1024x1xf32, #tpu.memory_space<vmem>>, vector<1x1024x1xf32>
    %get3A_13 = vector.shape_cast %get3A_12 : vector<1x1024x1xf32> to vector<1024x1xf32>
    %get3A_14 = arith.constant 1 : index
    %get3A_15 = arith.constant 0 : index
    %get3A_16 = arith.constant 0 : index
    %get3A_17 = vector.load %arg2[%get3A_14, %get3A_15, %get3A_16] : memref<2x1024x1xf32, #tpu.memory_space<vmem>>, vector<1x1024x1xf32>
    %get3A_18 = vector.shape_cast %get3A_17 : vector<1x1024x1xf32> to vector<1024x1xf32>
    %add3A_19 = arith.addf %get3A_13, %get3A_18 : vector<1024x1xf32>
    %max3A = arith.constant 1.000000e+00 : f32
    %max3A_20 = vector.broadcast %max3A : f32 to vector<1024x1xf32>
    %max3A_21 = arith.maximumf %add3A_19, %max3A_20 : vector<1024x1xf32>
    %div3A = vector.broadcast %max3A_21 : vector<1024x1xf32> to vector<1024x128xf32>
    %div3A_22 = arith.divf %add3A, %div3A : vector<1024x128xf32>
    %get3A_23 = arith.constant 0 : index
    %get3A_24 = arith.constant 0 : index
    %get3A_25 = vector.load %arg3[%get3A_23, %get3A_24] : memref<1024x128xf32, #tpu.memory_space<vmem>>, vector<1024x128xf32>
    %get3A_26 = arith.constant 0 : index
    %get3A_27 = arith.constant 0 : index
    %get3A_28 = vector.load %arg4[%get3A_26, %get3A_27] : memref<128x128xf32, #tpu.memory_space<vmem>>, vector<128x128xf32>
    %dot_general3A = arith.constant dense<0.000000e+00> : vector<1024x128xf32>
    %dot_general3A_29 = tpu.matmul %div3A_22, %get3A_28, %dot_general3A {dimension_numbers = #tpu.dot_dimension_numbers<[1], [0], [0], [1], [0, 0, 1, 1], [], []>, transpose_lhs_hint = false} : vector<1024x128xf32>, vector<128x128xf32>, vector<1024x128xf32> -> vector<1024x128xf32>
    %get3A_30 = arith.constant 0 : index
    %get3A_31 = arith.constant 0 : index
    %get3A_32 = vector.load %arg5[%get3A_30, %get3A_31] : memref<128x128xf32, #tpu.memory_space<vmem>>, vector<128x128xf32>
    %dot_general3A_33 = arith.constant dense<0.000000e+00> : vector<1024x128xf32>
    %dot_general3A_34 = tpu.matmul %get3A_25, %get3A_32, %dot_general3A_33 {dimension_numbers = #tpu.dot_dimension_numbers<[1], [0], [0], [1], [0, 0, 1, 1], [], []>, transpose_lhs_hint = false} : vector<1024x128xf32>, vector<128x128xf32>, vector<1024x128xf32> -> vector<1024x128xf32>
    %add3A_35 = arith.addf %dot_general3A_29, %dot_general3A_34 : vector<1024x128xf32>
    %get3A_36 = arith.constant 0 : index
    %get3A_37 = arith.constant 0 : index
    %get3A_38 = vector.load %arg6[%get3A_36, %get3A_37] : memref<1x128xf32, #tpu.memory_space<vmem>>, vector<1x128xf32>
    %add3A_39 = vector.broadcast %get3A_38 : vector<1x128xf32> to vector<1024x128xf32>
    %add3A_40 = arith.addf %add3A_35, %add3A_39 : vector<1024x128xf32>
    %max3A_41 = arith.constant 0.000000e+00 : f32
    %max3A_42 = vector.broadcast %max3A_41 : f32 to vector<1024x128xf32>
    %max3A_43 = arith.maximumf %add3A_40, %max3A_42 : vector<1024x128xf32>
    %get3A_44 = arith.constant 0 : index
    %get3A_45 = arith.constant 0 : index
    %get3A_46 = vector.load %arg7[%get3A_44, %get3A_45] : memref<128x128xf32, #tpu.memory_space<vmem>>, vector<128x128xf32>
    %dot_general3A_47 = arith.constant dense<0.000000e+00> : vector<1024x128xf32>
    %dot_general3A_48 = tpu.matmul %get3A_25, %get3A_46, %dot_general3A_47 {dimension_numbers = #tpu.dot_dimension_numbers<[1], [0], [0], [1], [0, 0, 1, 1], [], []>, transpose_lhs_hint = false} : vector<1024x128xf32>, vector<128x128xf32>, vector<1024x128xf32> -> vector<1024x128xf32>
    %get3A_49 = arith.constant 0 : index
    %get3A_50 = arith.constant 0 : index
    %get3A_51 = vector.load %arg8[%get3A_49, %get3A_50] : memref<128x128xf32, #tpu.memory_space<vmem>>, vector<128x128xf32>
    %dot_general3A_52 = arith.constant dense<0.000000e+00> : vector<1024x128xf32>
    %dot_general3A_53 = tpu.matmul %max3A_43, %get3A_51, %dot_general3A_52 {dimension_numbers = #tpu.dot_dimension_numbers<[1], [0], [0], [1], [0, 0, 1, 1], [], []>, transpose_lhs_hint = false} : vector<1024x128xf32>, vector<128x128xf32>, vector<1024x128xf32> -> vector<1024x128xf32>
    %add3A_54 = arith.addf %dot_general3A_48, %dot_general3A_53 : vector<1024x128xf32>
    %get3A_55 = arith.constant 0 : index
    %get3A_56 = arith.constant 0 : index
    %get3A_57 = vector.load %arg9[%get3A_55, %get3A_56] : memref<1x128xf32, #tpu.memory_space<vmem>>, vector<1x128xf32>
    %add3A_58 = vector.broadcast %get3A_57 : vector<1x128xf32> to vector<1024x128xf32>
    %add3A_59 = arith.addf %add3A_54, %add3A_58 : vector<1024x128xf32>
    %max3A_60 = arith.constant 0.000000e+00 : f32
    %max3A_61 = vector.broadcast %max3A_60 : f32 to vector<1024x128xf32>
    %max3A_62 = arith.maximumf %add3A_59, %max3A_61 : vector<1024x128xf32>
    %swap3A = arith.constant 0 : index
    %swap3A_63 = arith.constant 0 : index
    %swap3A_64 = vector.load %arg11[%swap3A, %swap3A_63] : memref<1024x128xf32, #tpu.memory_space<vmem>>, vector<1024x128xf32>
    tpu.vector_store %arg11[%swap3A, %swap3A_63], %max3A_62 {strides = array<i32>} : memref<1024x128xf32, #tpu.memory_space<vmem>>, vector<1024x128xf32>,
    %eq3A = arith.constant 0 : i32
    %eq3A_65 = arith.cmpi eq, %arg0, %eq3A : i32
    %convert_element_type3A = arith.extui %eq3A_65 : i1 to i32
    %cond3A = arith.constant 0 : i32
    %cond3A_66 = arith.cmpi ne, %convert_element_type3A, %cond3A : i32
    scf.if %cond3A_66 {
      %broadcast_in_dim3A = arith.constant 0.000000e+00 : f32
      %broadcast_in_dim3A_83 = vector.broadcast %broadcast_in_dim3A : f32 to vector<64x128xf32>
      %swap3A_84 = arith.constant 0 : index
      %swap3A_85 = arith.constant 0 : index
      %swap3A_86 = vector.load %arg12[%swap3A_84, %swap3A_85] : memref<64x128xf32, #tpu.memory_space<vmem>>, vector<64x128xf32>
      tpu.vector_store %arg12[%swap3A_84, %swap3A_85], %broadcast_in_dim3A_83 {strides = array<i32>} : memref<64x128xf32, #tpu.memory_space<vmem>>, vector<64x128xf32>,
    } else {
    }
    %get3A_67 = arith.constant 0 : index
    %get3A_68 = arith.constant 0 : index
    %get3A_69 = vector.load %arg10[%get3A_67, %get3A_68] : memref<1024x1xi32, #tpu.memory_space<vmem>>, vector<1024x1xi32>
    %iota3A = tpu.iota {dimensions = array<i32: 1>} : vector<1024x64xi32>
    %eq3A_70 = vector.broadcast %get3A_69 : vector<1024x1xi32> to vector<1024x64xi32>
    %eq3A_71 = arith.cmpi eq, %eq3A_70, %iota3A : vector<1024x64xi32>
    %convert_element_type3A_72 = arith.extui %eq3A_71 : vector<1024x64xi1> to vector<1024x64xi32>
    %convert_element_type3A_73 = arith.sitofp %convert_element_type3A_72 : vector<1024x64xi32> to vector<1024x64xf32>
    %get3A_74 = arith.constant 0 : index
    %get3A_75 = arith.constant 0 : index
    %get3A_76 = vector.load %arg12[%get3A_74, %get3A_75] : memref<64x128xf32, #tpu.memory_space<vmem>>, vector<64x128xf32>
    %dot_general3A_77 = arith.constant dense<0.000000e+00> : vector<64x128xf32>
    %dot_general3A_78 = tpu.matmul %convert_element_type3A_73, %max3A_62, %dot_general3A_77 {dimension_numbers = #tpu.dot_dimension_numbers<[0], [0], [1], [1], [0, 1, 1, 1], [], []>, transpose_lhs_hint = false} : vector<1024x64xf32>, vector<1024x128xf32>, vector<64x128xf32> -> vector<64x128xf32>
    %add3A_79 = arith.addf %get3A_76, %dot_general3A_78 : vector<64x128xf32>
    %swap3A_80 = arith.constant 0 : index
    %swap3A_81 = arith.constant 0 : index
    %swap3A_82 = vector.load %arg12[%swap3A_80, %swap3A_81] : memref<64x128xf32, #tpu.memory_space<vmem>>, vector<64x128xf32>
    tpu.vector_store %arg12[%swap3A_80, %swap3A_81], %add3A_79 {strides = array<i32>} : memref<64x128xf32, #tpu.memory_space<vmem>>, vector<64x128xf32>,
    return
  }
  func.func @transform_0(%arg0: i32) -> (i32, i32, i32) {
    %c0_i32 = arith.constant 0 : i32
    %c0_i32_0 = arith.constant 0 : i32
    %c0_i32_1 = arith.constant 0 : i32
    return %c0_i32, %arg0, %c0_i32_0 : i32, i32, i32
  }
  func.func @transform_1(%arg0: i32) -> (i32, i32, i32) {
    %c0_i32 = arith.constant 0 : i32
    %c0_i32_0 = arith.constant 0 : i32
    %c0_i32_1 = arith.constant 0 : i32
    return %c0_i32, %arg0, %c0_i32_0 : i32, i32, i32
  }
  func.func @transform_2(%arg0: i32) -> (i32, i32) {
    %c0_i32 = arith.constant 0 : i32
    %c0_i32_0 = arith.constant 0 : i32
    return %arg0, %c0_i32 : i32, i32
  }
  func.func @transform_3(%arg0: i32) -> (i32, i32) {
    %c0_i32 = arith.constant 0 : i32
    %c0_i32_0 = arith.constant 0 : i32
    %c0_i32_1 = arith.constant 0 : i32
    return %c0_i32, %c0_i32_0 : i32, i32
  }
  func.func @transform_4(%arg0: i32) -> (i32, i32) {
    %c0_i32 = arith.constant 0 : i32
    %c0_i32_0 = arith.constant 0 : i32
    %c0_i32_1 = arith.constant 0 : i32
    return %c0_i32, %c0_i32_0 : i32, i32
  }
  func.func @transform_5(%arg0: i32) -> (i32, i32) {
    %c0_i32 = arith.constant 0 : i32
    %c0_i32_0 = arith.constant 0 : i32
    %c0_i32_1 = arith.constant 0 : i32
    return %c0_i32, %c0_i32_0 : i32, i32
  }
  func.func @transform_6(%arg0: i32) -> (i32, i32) {
    %c0_i32 = arith.constant 0 : i32
    %c0_i32_0 = arith.constant 0 : i32
    %c0_i32_1 = arith.constant 0 : i32
    return %c0_i32, %c0_i32_0 : i32, i32
  }
  func.func @transform_7(%arg0: i32) -> (i32, i32) {
    %c0_i32 = arith.constant 0 : i32
    %c0_i32_0 = arith.constant 0 : i32
    %c0_i32_1 = arith.constant 0 : i32
    return %c0_i32, %c0_i32_0 : i32, i32
  }
  func.func @transform_8(%arg0: i32) -> (i32, i32) {
    %c0_i32 = arith.constant 0 : i32
    %c0_i32_0 = arith.constant 0 : i32
    %c0_i32_1 = arith.constant 0 : i32
    return %c0_i32, %c0_i32_0 : i32, i32
  }
  func.func @transform_9(%arg0: i32) -> (i32, i32) {
    %c0_i32 = arith.constant 0 : i32
    %c0_i32_0 = arith.constant 0 : i32
    return %arg0, %c0_i32 : i32, i32
  }
  func.func @transform_10(%arg0: i32) -> (i32, i32) {
    %c0_i32 = arith.constant 0 : i32
    %c0_i32_0 = arith.constant 0 : i32
    return %arg0, %c0_i32 : i32, i32
  }
  func.func @transform_11(%arg0: i32) -> (i32, i32) {
    %c0_i32 = arith.constant 0 : i32
    %c0_i32_0 = arith.constant 0 : i32
    %c0_i32_1 = arith.constant 0 : i32
    return %c0_i32, %c0_i32_0 : i32, i32
  }
}

module attributes {stable_mosaic.version = 14 : i64} {
  func.func @_head_body(%arg0: memref<64x256xf32, #tpu.memory_space<vmem>>, %arg1: memref<1x256xf32, #tpu.memory_space<vmem>>, %arg2: memref<1x256xf32, #tpu.memory_space<vmem>>, %arg3: memref<256x128xf32, #tpu.memory_space<vmem>>, %arg4: memref<1x128xf32, #tpu.memory_space<vmem>>, %arg5: memref<128x10xf32, #tpu.memory_space<vmem>>, %arg6: memref<1x10xf32, #tpu.memory_space<vmem>>, %arg7: memref<64x10xf32, #tpu.memory_space<vmem>>) attributes {dimension_semantics = [], scalar_prefetch = 0 : i64, scratch_operands = 0 : i64, tpu.core_type = #tpu.core_type<tc>} {
    %get3A = arith.constant 0 : index
    %get3A_0 = arith.constant 0 : index
    %get3A_1 = vector.load %arg0[%get3A, %get3A_0] : memref<64x256xf32, #tpu.memory_space<vmem>>, vector<64x256xf32>
    %reduce_sum3A = arith.constant dense<0.000000e+00> : vector<256xf32>
    %reduce_sum3A_2 = vector.multi_reduction <add>, %get3A_1, %reduce_sum3A [0] : vector<64x256xf32> to vector<256xf32>
    %broadcast_in_dim3A = vector.shape_cast %reduce_sum3A_2 : vector<256xf32> to vector<1x256xf32>
    %div3A = arith.constant 6.400000e+01 : f32
    %div3A_3 = vector.broadcast %div3A : f32 to vector<1x256xf32>
    %div3A_4 = arith.divf %broadcast_in_dim3A, %div3A_3 : vector<1x256xf32>
    %sub3A = vector.broadcast %div3A_4 : vector<1x256xf32> to vector<64x256xf32>
    %sub3A_5 = arith.subf %get3A_1, %sub3A : vector<64x256xf32>
    %integer_pow3A = arith.mulf %sub3A_5, %sub3A_5 : vector<64x256xf32>
    %reduce_sum3A_6 = arith.constant dense<0.000000e+00> : vector<256xf32>
    %reduce_sum3A_7 = vector.multi_reduction <add>, %integer_pow3A, %reduce_sum3A_6 [0] : vector<64x256xf32> to vector<256xf32>
    %broadcast_in_dim3A_8 = vector.shape_cast %reduce_sum3A_7 : vector<256xf32> to vector<1x256xf32>
    %div3A_9 = arith.constant 6.400000e+01 : f32
    %div3A_10 = vector.broadcast %div3A_9 : f32 to vector<1x256xf32>
    %div3A_11 = arith.divf %broadcast_in_dim3A_8, %div3A_10 : vector<1x256xf32>
    %sub3A_12 = vector.broadcast %div3A_4 : vector<1x256xf32> to vector<64x256xf32>
    %sub3A_13 = arith.subf %get3A_1, %sub3A_12 : vector<64x256xf32>
    %add3A = arith.constant 9.99999974E-6 : f32
    %add3A_14 = vector.broadcast %add3A : f32 to vector<1x256xf32>
    %add3A_15 = arith.addf %div3A_11, %add3A_14 : vector<1x256xf32>
    %sqrt3A = math.sqrt %add3A_15 : vector<1x256xf32>
    %div3A_16 = vector.broadcast %sqrt3A : vector<1x256xf32> to vector<64x256xf32>
    %div3A_17 = arith.divf %sub3A_13, %div3A_16 : vector<64x256xf32>
    %get3A_18 = arith.constant 0 : index
    %get3A_19 = arith.constant 0 : index
    %get3A_20 = vector.load %arg1[%get3A_18, %get3A_19] : memref<1x256xf32, #tpu.memory_space<vmem>>, vector<1x256xf32>
    %mul3A = vector.broadcast %get3A_20 : vector<1x256xf32> to vector<64x256xf32>
    %mul3A_21 = arith.mulf %div3A_17, %mul3A : vector<64x256xf32>
    %get3A_22 = arith.constant 0 : index
    %get3A_23 = arith.constant 0 : index
    %get3A_24 = vector.load %arg2[%get3A_22, %get3A_23] : memref<1x256xf32, #tpu.memory_space<vmem>>, vector<1x256xf32>
    %add3A_25 = vector.broadcast %get3A_24 : vector<1x256xf32> to vector<64x256xf32>
    %add3A_26 = arith.addf %mul3A_21, %add3A_25 : vector<64x256xf32>
    %get3A_27 = arith.constant 0 : index
    %get3A_28 = arith.constant 0 : index
    %get3A_29 = vector.load %arg3[%get3A_27, %get3A_28] : memref<256x128xf32, #tpu.memory_space<vmem>>, vector<256x128xf32>
    %dot_general3A = arith.constant dense<0.000000e+00> : vector<64x128xf32>
    %dot_general3A_30 = tpu.matmul %add3A_26, %get3A_29, %dot_general3A {dimension_numbers = #tpu.dot_dimension_numbers<[1], [0], [0], [1], [0, 0, 1, 1], [], []>, transpose_lhs_hint = false} : vector<64x256xf32>, vector<256x128xf32>, vector<64x128xf32> -> vector<64x128xf32>
    %get3A_31 = arith.constant 0 : index
    %get3A_32 = arith.constant 0 : index
    %get3A_33 = vector.load %arg4[%get3A_31, %get3A_32] : memref<1x128xf32, #tpu.memory_space<vmem>>, vector<1x128xf32>
    %add3A_34 = vector.broadcast %get3A_33 : vector<1x128xf32> to vector<64x128xf32>
    %add3A_35 = arith.addf %dot_general3A_30, %add3A_34 : vector<64x128xf32>
    %max3A = arith.constant 0.000000e+00 : f32
    %max3A_36 = vector.broadcast %max3A : f32 to vector<64x128xf32>
    %max3A_37 = arith.maximumf %add3A_35, %max3A_36 : vector<64x128xf32>
    %get3A_38 = arith.constant 0 : index
    %get3A_39 = arith.constant 0 : index
    %get3A_40 = vector.load %arg5[%get3A_38, %get3A_39] : memref<128x10xf32, #tpu.memory_space<vmem>>, vector<128x10xf32>
    %dot_general3A_41 = arith.constant dense<0.000000e+00> : vector<64x10xf32>
    %dot_general3A_42 = tpu.matmul %max3A_37, %get3A_40, %dot_general3A_41 {dimension_numbers = #tpu.dot_dimension_numbers<[1], [0], [0], [1], [0, 0, 1, 1], [], []>, transpose_lhs_hint = false} : vector<64x128xf32>, vector<128x10xf32>, vector<64x10xf32> -> vector<64x10xf32>
    %get3A_43 = arith.constant 0 : index
    %get3A_44 = arith.constant 0 : index
    %get3A_45 = vector.load %arg6[%get3A_43, %get3A_44] : memref<1x10xf32, #tpu.memory_space<vmem>>, vector<1x10xf32>
    %add3A_46 = vector.broadcast %get3A_45 : vector<1x10xf32> to vector<64x10xf32>
    %add3A_47 = arith.addf %dot_general3A_42, %add3A_46 : vector<64x10xf32>
    %reduce_max3A = arith.constant dense<0xFF800000> : vector<64xf32>
    %reduce_max3A_48 = vector.multi_reduction <maximumf>, %add3A_47, %reduce_max3A [1] : vector<64x10xf32> to vector<64xf32>
    %broadcast_in_dim3A_49 = vector.shape_cast %reduce_max3A_48 : vector<64xf32> to vector<64x1xf32>
    %sub3A_50 = vector.broadcast %broadcast_in_dim3A_49 : vector<64x1xf32> to vector<64x10xf32>
    %sub3A_51 = arith.subf %add3A_47, %sub3A_50 : vector<64x10xf32>
    %exp3A = math.exp %sub3A_51 : vector<64x10xf32>
    %reduce_sum3A_52 = arith.constant dense<0.000000e+00> : vector<64xf32>
    %reduce_sum3A_53 = vector.multi_reduction <add>, %exp3A, %reduce_sum3A_52 [1] : vector<64x10xf32> to vector<64xf32>
    %broadcast_in_dim3A_54 = vector.shape_cast %reduce_sum3A_53 : vector<64xf32> to vector<64x1xf32>
    %div3A_55 = vector.broadcast %broadcast_in_dim3A_54 : vector<64x1xf32> to vector<64x10xf32>
    %div3A_56 = arith.divf %exp3A, %div3A_55 : vector<64x10xf32>
    %swap3A = arith.constant 0 : index
    %swap3A_57 = arith.constant 0 : index
    %swap3A_58 = vector.load %arg7[%swap3A, %swap3A_57] : memref<64x10xf32, #tpu.memory_space<vmem>>, vector<64x10xf32>
    tpu.vector_store %arg7[%swap3A, %swap3A_57], %div3A_56 {strides = array<i32>} : memref<64x10xf32, #tpu.memory_space<vmem>>, vector<64x10xf32>,
    return
  }
}

</mosaic_0001>

<sc_bundles>
// kernel: kernel.12.cloned.1.call-start
scs
__scs_entry_jumppad:
0x0: {  	(pc) =	sbr.rel $0x88, $3  }
0x1: {  	(tag) =	ssettag $0x0;
	lr =	simm.s32 $0x1  }
0x2: {  	[smem:$0x3F84] =	sst lr;
	_ =	strace $0xD0000000  }
0x3: {  	_ = 	snop  }
0x4: {  	_ = 	snop  }
0x5: {  	_ = 	snop  }
0x6: {  	_ = 	snop  }
0x7: {  	_ = 	snop  }
__scs_overlays_trampoline_lowered:
0x8: {  	[smem:$0x3F93] =	sst s0  }
0x9: {  	[smem:$0x3F94] =	sst s1  }
0xa: {  	[smem:$0x3F95] =	sst s2  }
0xb: {  	[smem:$0x3F96] =	sst s3  }
0xc: {  	[smem:$0x3F97] =	sst s4  }
0xd: {  	[smem:$0x3F98] =	sst s5  }
0xe: {  	[smem:$0x3F99] =	sst s6  }
0xf: {  	[smem:$0x3F9A] =	sst s7  }
0x10: {  	[smem:$0x3F9B] =	sst s8  }
0x11: {  	[smem:$0x3F9C] =	sst s9;
	s0 =	simm.s32 @!p0 $0x0  }
0x12: {  	s1 =	sld [smem:$0x3F82];
	s0 =	simm.s32 @p0 $0x1  }
0x13: {  	[smem:$0x3F9D] =	sst s0;
	s0 =	simm.s32 @!p1 $0x0  }
0x14: {  	s2 =	sld [smem:$0x3F81];
	s0 =	simm.s32 @p1 $0x1  }
0x15: {  	[smem:$0x3F9E] =	sst s0;
	s0 =	simm.s32 @!p2 $0x0  }
0x16: {  	s3 =	sld [smem:$0x3FDB];
	s0 =	simm.s32 @p2 $0x1  }
0x17: {  	s4 =	simm.s32 $0x1BF5;
	[smem:$0x3FA0] =	sst s0  }
0x18: {  	s0 =	sld [smem:$0x3F83];
	_ =	swait.ge [sflag:s4], $0x0  }
0x19: {  	s7 =	sld [smem:$0x3F84]  }
0x1a: {  	s8 =	sadd.s32 $0xFFFFE003, lr  }
0x1b: {  	s9 =	sadd.s32 $0xFFFFFEF7, lr;
	s5 =	simm.s32 $0xFFFFFFFF;
	p2 =	slt.u32 s8, $0xFFFFF086  }
0x1c: {  	p1 =	slt.u32 s9, $0xF7A;
	s5 =	simm.s32 @!p2 $0x0  }
0x1d: {  	s5 =	simm.s32 @p1 $0x1;
	p0 =	seq.s32 s7, s2  }
0x1e: {  	s7 =	smul.u32 @!p0 $0xF7A, s2;
	p2 =	seq.s32 @!p0 s5, $0x0  }
0x1f: {  	s9 =	smul.u32 $0xF7A, s1;
	s8 =	simm.s32 @!p0 $0x1BF5;
	p2 =	por !p2, p0  }
0x20: {  	[sflag:s8] =	ssyncset.s32 @!p0 $0xFFFFF086;
	s6 =	sadd.s32 @!p0 s3, s7;
	s7 =	simm.s32 @!p0 $0x108  }
0x21: {  	s3 =	sadd.s32 s3, s9;
	s6 =	sadd.s32 @!p0 $0x88, s6;
	s7 =	simm.s32 @p2 $0x1082  }
0x22: {  	[simem:s7], [sflag:s8] =	dma.local @!p0 [hbm:s6], $0xF7A  }
0x23: {  	s9 =	sor.u32 $0xD0000000, s2;
	s6 =	simm.s32 $0x108;
	_ =	swait.ge @!p0 [sflag:s8], $0x0  }
0x24: {  	s3 =	sadd.s32 $0x88, s3;
	s6 =	simm.s32 @!p1 $0x1082;
	[sflag:s4] =	ssyncset.s32 $0xFFFFF086  }
0x25: {  	[simem:s6], [sflag:s4] =	dma.local [hbm:s3], $0xF7A  }
0x26: {  	[smem:$0x3F84] =	sst s1;
	(tag) =	ssettag s2;
	_ =	strace s9  }
0x27: {  	s1 =	sld [smem:$0x3F94]  }
0x28: {  	s2 =	sld [smem:$0x3F95]  }
0x29: {  	s4 =	sld [smem:$0x3F97]  }
0x2a: {  	p0 =	seq.s32 s5, $0x0;
	s5 =	sld [smem:$0x3F98]  }
0x2b: {  	s6 =	sld [smem:$0x3F99]  }
0x2c: {  	s7 =	sld [smem:$0x3F9A]  }
0x2d: {  	s3 =	simm.s32 $0x108;
	s8 =	sld [smem:$0x3F9B]  }
0x2e: {  	s3 =	simm.s32 @!p0 $0x1082;
	s9 =	sld [smem:$0x3F9C]  }
0x2f: {  	lr =	sadd.s32 s0, s3;
	s0 =	sld [smem:$0x3F93]  }
0x30: {  	s3 =	sld [smem:$0x3F96]  }
0x31: {  	[smem:$0x3F9F] =	sst s10  }
0x32: {  	s10 =	sld [smem:$0x3F9D];
	_ =	sdelay $0x3  }
0x33: {  	p0 =	seq.s32 s10, $0x1;
	s10 =	sld [smem:$0x3F9F];
	_ =	sdelay $0x3  }
0x34: {  	[smem:$0x3F9F] =	sst s10  }
0x35: {  	s10 =	sld [smem:$0x3F9E];
	_ =	sdelay $0x3  }
0x36: {  	p1 =	seq.s32 s10, $0x1;
	s10 =	sld [smem:$0x3F9F];
	_ =	sdelay $0x3  }
0x37: {  	[smem:$0x3F9F] =	sst s10  }
0x38: {  	s10 =	sld [smem:$0x3FA0]  }
0x39: {  	_ = 	snop;
	(pc) =	sbr.ind lr, $3  }
0x3a: {  	_ = 	snop  }
0x3b: {  	_ = 	snop  }
0x3c: {  	p2 =	seq.s32 s10, $0x1;
	s10 =	sld [smem:$0x3F9F]  }
0x3d: {  	_ =	shalt  }
0x3e: {  	_ =	shalt  }
0x3f: {  	_ =	shalt  }
0x40: {  	_ =	shalt  }
0x41: {  	_ =	shalt  }
0x42: {  	_ =	shalt  }
0x43: {  	_ =	shalt  }
0x44: {  	_ =	shalt  }
0x45: {  	_ =	shalt  }
0x46: {  	_ =	shalt  }
0x47: {  	_ =	shalt  }
0x48: {  	_ =	shalt  }
0x49: {  	_ =	shalt  }
0x4a: {  	_ =	shalt  }
0x4b: {  	_ =	shalt  }
0x4c: {  	_ =	shalt  }
0x4d: {  	_ =	shalt  }
0x4e: {  	_ =	shalt  }
0x4f: {  	_ =	shalt  }
0x50: {  	_ =	shalt  }
0x51: {  	_ =	shalt  }
0x52: {  	_ =	shalt  }
0x53: {  	_ =	shalt  }
0x54: {  	_ =	shalt  }
0x55: {  	_ =	shalt  }
0x56: {  	_ =	shalt  }
0x57: {  	_ =	shalt  }
0x58: {  	_ =	shalt  }
0x59: {  	_ =	shalt  }
0x5a: {  	_ =	shalt  }
0x5b: {  	_ =	shalt  }
0x5c: {  	_ =	shalt  }
0x5d: {  	_ =	shalt  }
0x5e: {  	_ =	shalt  }
0x5f: {  	_ =	shalt  }
0x60: {  	_ =	shalt  }
0x61: {  	_ =	shalt  }
0x62: {  	_ =	shalt  }
0x63: {  	_ =	shalt  }
0x64: {  	_ =	shalt  }
0x65: {  	_ =	shalt  }
0x66: {  	_ =	shalt  }
0x67: {  	_ =	shalt  }
0x68: {  	_ =	shalt  }
0x69: {  	_ =	shalt  }
0x6a: {  	_ =	shalt  }
0x6b: {  	_ =	shalt  }
0x6c: {  	_ =	shalt  }
0x6d: {  	_ =	shalt  }
0x6e: {  	_ =	shalt  }
0x6f: {  	_ =	shalt  }
0x70: {  	_ =	shalt  }
0x71: {  	_ =	shalt  }
0x72: {  	_ =	shalt  }
0x73: {  	_ =	shalt  }
0x74: {  	_ =	shalt  }
0x75: {  	_ =	shalt  }
0x76: {  	_ =	shalt  }
0x77: {  	_ =	shalt  }
0x78: {  	_ =	shalt  }
0x79: {  	_ =	shalt  }
0x7a: {  	_ =	shalt  }
0x7b: {  	_ =	shalt  }
0x7c: {  	_ =	shalt  }
0x7d: {  	_ =	shalt  }
0x7e: {  	_ =	shalt  }
0x7f: {  	_ =	shalt  }
0x80: {  	_ =	shalt  }
0x81: {  	_ =	shalt  }
0x82: {  	_ =	shalt  }
0x83: {  	_ =	shalt  }
0x84: {  	_ =	shalt  }
0x85: {  	_ =	shalt  }
0x86: {  	_ =	shalt  }
0x87: {  	_ =	shalt  }
.Lfunc_end0:
.L_simem_size_0:
called_computation_lowered:
.L_overlay_start_0:
0x88: {  	s2 =	sld [smem:$0x3FD9]  }
0x89: {  	s3 =	sld [smem:$0x3FFE];
	_ =	sdelay $0x1  }
0x8a: {  	s1 =	srdreg.scid  }
0x8b: {  	s0 =	sand.u32 $0x1, s1  }
0x8c: {  	s17 =	sshll.u32 s0, $0xA;
	s2 =	sadd.s32 s3, s2  }
0x8d: {  	s2 =	sadd.s32 s2, s17  }
0x8e: {  	[smem:$0x3FAB] =	sst s2  }
0x8f: {  	_ = 	snop  }
0x90: {  	(tm) =	ssettm $0x1  }
0x91: {  	s18 =	sld [smem:$0x3FFB];
	_ =	sdelay $0x3  }
0x92: {  	_ =	strace s18  }
0x93: {  	s2 =	sld [smem:$0x3FFC];
	_ =	sdelay $0x3  }
0x94: {  	_ =	strace s2  }
0x95: {  	s2 =	sld [smem:$0x3FFD];
	_ =	sdelay $0x3  }
0x96: {  	_ =	strace s2  }
0x97: {  	_ =	strace $0x8FFFFFFF  }
0x98: {  	s19 =	sld [smem:$0x3FDB];
	_ =	sdelay $0x1  }
0x99: {  	s20 =	simm.s32 $_scs_section_size  }
0x9a: {  	s4 =	simm.s32 $_size__tile_overlayer_lowered;
	s5 =	simm.s32 $_tile_overlayer_lowered  }
0x9b: {  	s6 =	simm.s32 $0x1BFF;
	s21 =	sshll.u32 s5, $0x1;
	s3 =	sadd.s32 s20, s19  }
0x9c: {  	s22 =	simm.s32 $0x0;
	s4 =	sshll.u32 s4, $0x1;
	s5 =	sadd.s32 s21, s3  }
0x9d: {  	[timem:s22], [sflag:s6] =	dma.local [hbm:s5], s4  }
0x9e: {  	_ =	swait.ge [sflag:s6], s4  }
0x9f: {  	s4 =	ssub.s32 $0x0, s4;
	[sflag:s6] =	ssyncset.done $0x0  }
0xa0: {  	[sflag:s6] =	ssyncadd.s32 s4;
	_ =	sdelay $0x1  }
0xa1: {  	s23 =	simm.s32 $0x1B8B  }
0xa2: {  	_ =	swait.ge [sflag:s23], $0x1  }
0xa3: {  	[sflag:s23] =	ssyncset.done $0x0  }
0xa4: {  	[sflag:s23] =	ssyncadd.s32 $0xFFFFFFFF  }
0xa5: {  	s4 =	sld [smem:$0x0]  }
0xa6: {  	s5 =	sand.u32 $0xFFFFFFFE, s1  }
0xa7: {  	p0 =	sne.s32 s1, s5  }
0xa8: {  	s5 =	sshll.u32 @p0 s5, $0xE  }
0xa9: {  	s5 =	sadd.s32 @p0 $0x11B8D, s5;
	s6 =	sshll.u32 @p0 s4, $0x11  }
0xaa: {  	s5 =	sor.u32 @p0 s6, s5  }
0xab: {  	[sflag:s5] =	ssyncadd.remote.s32 @p0 $0x1;
	_ =	sdelay $0x1  }
0xac: {  	s5 =	simm.s32 @p0 $0x1B8D  }
0xad: {  	_ =	swait.eq @p0 [sflag:s5], $0x1  }
0xae: {  	[sflag:s5] =	ssyncadd.s32 @p0 $0xFFFFFFFF  }
0xaf: {  	s6 =	sshll.u32 @!p0 s1, $0xE  }
0xb0: {  	s6 =	sor.u32 @!p0 $0x4000, s6;
	s5 =	simm.s32 @!p0 $0x1B8D  }
0xb1: {  	s4 =	sshll.u32 @!p0 s4, $0x11;
	s6 =	sadd.s32 @!p0 $0x11B8D, s6;
	_ =	swait.eq @!p0 [sflag:s5], $0x1  }
0xb2: {  	s4 =	sor.u32 @!p0 s4, s6;
	[sflag:s5] =	ssyncadd.s32 @!p0 $0xFFFFFFFF  }
0xb3: {  	s25 =	simm.s32 $0x1B8E;
	s24 =	sld [smem:$0x3FFE];
	[sflag:s4] =	ssyncadd.remote.s32 @!p0 $0x1  }
0xb4: {  	s26 =	simm.s32 $execute0_lowered;
	[smem:$0x3FD2] =	sst s25  }
0xb5: {  	s5 =	sshll.u32 s26, $0x1;
	_ =	strace $0x80000049;
	[dreg:$0x1] =	wrdreg $0xFFFFFFFF  }
0xb6: {  	s28 =	simm.s32 $_size_execute0_lowered;
	s3 =	sadd.s32 s3, s5;
	[dreg:$0x0] =	wrdreg $0x0  }
0xb7: {  	s5 =	sshll.u32 s28, $0x1;
	[dreg:$0x2] =	wrdreg s3  }
0xb8: {  	[dreg:$0x3] =	wrdreg s5  }
0xb9: {  	[dreg:$0x4] =	wrdreg $0xC0  }
0xba: {  	_ =	task [dreg:s22], $0x5FFFF  }
0xbb: {  	[dreg:$0x1] =	wrdreg $0xFFFFFFFF  }
0xbc: {  	[dreg:$0x0] =	wrdreg $0x60  }
0xbd: {  	[dreg:$0x2] =	wrdreg s24  }
0xbe: {  	[dreg:$0x3] =	wrdreg $0x68000  }
0xbf: {  	[dreg:$0x4] =	wrdreg $0x9  }
0xc0: {  	_ =	task.clear_ibuf [dreg:s22], $0x5FFFF;
	_ =	strace $0x90000049  }
0xc1: {  	s29 =	simm.s32 $0x9;
	_ =	strace $0x8000004B  }
0xc2: {  	_ =	swait.ge [sflag:s29], $0x1  }
0xc3: {  	[sflag:s29] =	ssyncadd.s32 $0xFFFFFFFF  }
0xc4: {  	_ =	strace $0x9000004B  }
0xc5: {  	_ =	sfence  }
0xc6: {  	s30 =	sld [smem:$0x0];
	_ =	sdelay $0x2  }
0xc7: {  	s31 =	sshll.u32 s1, $0xD;
	s1 =	sshrl.u32 s1, $0x2  }
0xc8: {  	s4 =	sand.u32 $0x4000, s31;
	s1 =	sadd.s32 s1, s30  }
0xc9: {  	s0 =	sor.u32 s4, s0;
	s1 =	sshll.u32 s1, $0x11  }
0xca: {  	s0 =	sor.u32 s1, s0  }
0xcb: {  	s0 =	sadd.s32 $0x8F2B, s0  }
0xcc: {  	[sflag:s0] =	ssyncadd.remote.s32 $0x1  }
0xcd: {  	_ =	sfence.sel $0xFFFF  }
0xce: {  	[dreg:$0x0] =	wrdreg $0xFFFFFFFF;
	(pc) =	sbr.abs _section_cstart, $3  }
0xcf: {  	[dreg:$0x1] =	wrdreg $0xFFFFFFFF  }
0xd0: {  	_ =	task.clear_ibuf [dreg:s22], $0x2FFFF;
	_ =	strace $0x9FFFFFFF  }
0xd1: {  	(tm) =	ssettm $0x7FFFFFFF  }
tec
execute0_lowered:
.L_overlay_start_1:
0x0: {  	(tag) =	ssettag $0x1  }
0x1: {  	s1 =	srdreg.scid;
	s5 =	rddreg [dreg:$0x0]  }
0x2: {  	s0 =	stileid.u32;
	s2 =	rddreg [dreg:$0x1];
	s3 =	simm.s32 $0x0  }
0x3: {  	s14 =	simm.s32 $0x0;
	s6 =	sand.u32 $0x1, s1;
	s1 =	rddreg [dreg:$0x2]  }
0x4: {  	s28 =	sshll.u32 s0, $0x1;
	[smem:$0x7FF] =	sst s3;
	s7 =	smul.u32 $0x14000, s0  }
0x5: {  	s29 =	smul.u32 $0x50000, s0;
	s31 =	sshll.u32 s0, $0x6;
	s4 =	sor.u32 s6, s28  }
0x6: {  	_ =	strace $0x8000004A;
	s8 =	smul.u32 $0x140000, s6;
	s6 =	ssub.s32 $0x2, s6  }
0x7: {  	s4 =	smul.u32 $0x500, s4;
	s10 =	sshrl.u32 s7, $0x3;
	s11 =	sshrl.u32 s6, $0x1  }
0x8: {  	s30 =	sshrl.u32 s29, $0x2;
	s7 =	sadd.s32 s7, s8;
	s10 =	sadd.s32 s10, s5  }
0x9: {  	s11 =	ssub.s32 s6, s11;
	s13 =	sadd.s32 s30, s2;
	s6 =	sor.u32 $0x1C01, s31  }
0xa: {  	s9 =	sadd.s32 s4, s5;
	s4 =	sadd.s32 $0xBAC00, s5;
	s7 =	sshrl.u32 s7, $0x3  }
0xb: {  	s12 =	sadd.s32 s7, s5;
	s5 =	sadd.s32 $0x42C00, s10;
	s7 =	sadd.s32 $0x6C00, s9  }
0xc: {  	s9 =	smax.u32 s11, $0x1;
	s10 =	sshrl.u32 s13, $0x3;
	s11 =	simm.s32 $0x1  }
0xd: {  	s13 =	simm.s32 $0x80;
	s8 =	sadd.s32 $0xBB400, s12;
	s12 =	simm.s32 $0x2800  }
.LBB2_1:
0xe: {  	[spmem:s10], [sflag:s6] =	dma.local [hbm:s5], $0x2800  }
0xf: {  	_ =	swait.ge [sflag:s11], $0x2800  }
0x10: {  	[sflag:s11] =	ssyncset.done $0x0  }
0x11: {  	[sflag:s11] =	ssyncadd.s32 $0xFFFFD800  }
0x12: {  	[tilespmem:s3], [sflag:$0x1] =	stream.linear.gather [hbm4b:s7+s3], $0x2800, $0x38;
	[tilespmem:$0x1A800] =	vst v63  }
0x13: {  	_ =	swait.ge [sflag:s11], $0x2800  }
0x14: {  	[sflag:s11] =	ssyncset.done $0x0  }
0x15: {  	[sflag:s11] =	ssyncadd.s32 $0xFFFFD800  }
0x16: {  	[tilespmem:s12], [sflag:$0x1] =	stream.linear.gather [hbm4b:s4+s3], $0x4000, $0x38;
	[tilespmem:$0x1A800] =	vst v63  }
0x17: {  	_ =	swait.ge [sflag:s11], $0x4000  }
0x18: {  	[sflag:s11] =	ssyncset.done $0x0  }
0x19: {  	[sflag:s11] =	ssyncadd.s32 $0xFFFFC000  }
0x1a: {  	s15 =	simm.s32 $0x0;
	[bflag:$0x0] =	sbarrier.arrive $0xFFFF  }
0x1b: {  	[spmem:s2] =	stream.indirect.scatter.add.f32 [tilespmem:s12], [sflag:$0x1], $0x80, s15, s13, $0xb8;
	[tilespmem:$0x1A800] =	vst v63  }
0x1c: {  	_ =	swait.ge [sflag:s11], $0x4000  }
0x1d: {  	s15 =	simm.s32 $0x200;
	[sflag:s11] =	ssyncset.done $0x0  }
.LBB2_2:
0x1e: {  	s16 =	sshra.s32 s15, $0x2;
	[sflag:s11] =	ssyncadd.s32 $0xFFFFC000;
	p0 =	sne.s32 s15, $0x9E00  }
0x1f: {  	[spmem:s2] =	stream.indirect.scatter.add.f32 [tilespmem:s12], [sflag:$0x1], $0x80, s16, s13, $0xb8;
	[tilespmem:$0x1A800] =	vst v63  }
.Ltmp0:
0x20: {  	_ = 	snop;
	(pc) =	sbr.rel @p0 .LBB2_2-.Ltmp0, $4  }
0x21: {  	_ = 	snop  }
0x22: {  	s15 =	sadd.s32 $0x200, s15  }
0x23: {  	_ =	swait.ge [sflag:s11], $0x4000  }
0x24: {  	[sflag:s11] =	ssyncset.done $0x0  }
0x25: {  	s14 =	sadd.s32 $0x1, s14  }
0x26: {  	[sflag:s11] =	ssyncadd.s32 $0xFFFFC000;
	p0 =	sne.s32 s14, s9  }
.Ltmp1:
0x27: {  	[bflag:$0x0] =	sbarrier.arrive $0xFFFF;
	(pc) =	sbr.rel @p0 .LBB2_1-.Ltmp1, $4  }
0x28: {  	[hbm:s8], [sflag:s6] =	dma.local [spmem:s10], $0x2800  }
0x29: {  	_ =	swait.ge [sflag:s11], $0x2800  }
0x2a: {  	[sflag:s11] =	ssyncset.done $0x0  }
0x2b: {  	[sflag:s11] =	ssyncadd.s32 $0xFFFFD800  }
0x2c: {  	_ =	sfence.sel $0x180000  }
0x2d: {  	[bflag:$0x0] =	sbarrier.arrive $0xFFFF  }
0x2e: {  	p0 =	sne.s32 s0, $0x0;
	_ =	strace $0x9000004A  }
0x2f: {  	s0 =	sadd.s32 @!p0 $0x100000, s1;
	[bflag:$0x2] =	sbarrier.arrive $0xFFFF  }
0x30: {  	[sflag:s0] =	ssyncadd.tile.s32 @!p0 $0x1;
	_ =	shalt  }
.Lfunc_end2:
_tile_overlayer_lowered:
.L_overlay_start_2:
0x31: {  	(tag) =	ssettag $0x2  }
0x32: {  	s0 =	rddreg [dreg:$0x0];
	s2 =	stileid.u32  }
0x33: {  	s1 =	rddreg [dreg:$0x1];
	p0 =	sne.s32 s2, $0x0  }
0x34: {  	s3 =	rddreg [dreg:$0x2];
	[bflag:$0x3] =	sbarrier.arrive $0xFFFF;
	s2 =	simm.s32 @!p0 $0x1C01  }
0x35: {  	[timem:s3], [sflag:s2] =	dma.local @!p0 [hbm:s0], s1  }
0x36: {  	s0 =	simm.s32 @!p0 $0x1  }
0x37: {  	_ =	swait.ge @!p0 [sflag:s0], s1  }
0x38: {  	s1 =	ssub.s32 @!p0 $0x0, s1;
	[sflag:s0] =	ssyncset.done @!p0 $0x0  }
0x39: {  	[sflag:s0] =	ssyncadd.s32 @!p0 s1  }
0x3a: {  	[bflag:$0x3] =	sbarrier.arrive $0xFFFF  }
0x3b: {  	_ =	shalt  }

// kernel: kernel.15.cloned.1.call-start
scs
__scs_entry_jumppad:
0x0: {  	(pc) =	sbr.rel $0x88, $3  }
0x1: {  	(tag) =	ssettag $0x0;
	lr =	simm.s32 $0x1  }
0x2: {  	[smem:$0x3F84] =	sst lr;
	_ =	strace $0xD0000000  }
0x3: {  	_ = 	snop  }
0x4: {  	_ = 	snop  }
0x5: {  	_ = 	snop  }
0x6: {  	_ = 	snop  }
0x7: {  	_ = 	snop  }
__scs_overlays_trampoline_lowered:
0x8: {  	[smem:$0x3F93] =	sst s0  }
0x9: {  	[smem:$0x3F94] =	sst s1  }
0xa: {  	[smem:$0x3F95] =	sst s2  }
0xb: {  	[smem:$0x3F96] =	sst s3  }
0xc: {  	[smem:$0x3F97] =	sst s4  }
0xd: {  	[smem:$0x3F98] =	sst s5  }
0xe: {  	[smem:$0x3F99] =	sst s6  }
0xf: {  	[smem:$0x3F9A] =	sst s7  }
0x10: {  	[smem:$0x3F9B] =	sst s8  }
0x11: {  	[smem:$0x3F9C] =	sst s9;
	s0 =	simm.s32 @!p0 $0x0  }
0x12: {  	s1 =	sld [smem:$0x3F82];
	s0 =	simm.s32 @p0 $0x1  }
0x13: {  	[smem:$0x3F9D] =	sst s0;
	s0 =	simm.s32 @!p1 $0x0  }
0x14: {  	s2 =	sld [smem:$0x3F81];
	s0 =	simm.s32 @p1 $0x1  }
0x15: {  	[smem:$0x3F9E] =	sst s0;
	s0 =	simm.s32 @!p2 $0x0  }
0x16: {  	s3 =	sld [smem:$0x3FDB];
	s0 =	simm.s32 @p2 $0x1  }
0x17: {  	s4 =	simm.s32 $0x1BF5;
	[smem:$0x3FA0] =	sst s0  }
0x18: {  	s0 =	sld [smem:$0x3F83];
	_ =	swait.ge [sflag:s4], $0x0  }
0x19: {  	s7 =	sld [smem:$0x3F84]  }
0x1a: {  	s8 =	sadd.s32 $0xFFFFE003, lr  }
0x1b: {  	s9 =	sadd.s32 $0xFFFFFEF7, lr;
	s5 =	simm.s32 $0xFFFFFFFF;
	p2 =	slt.u32 s8, $0xFFFFF086  }
0x1c: {  	p1 =	slt.u32 s9, $0xF7A;
	s5 =	simm.s32 @!p2 $0x0  }
0x1d: {  	s5 =	simm.s32 @p1 $0x1;
	p0 =	seq.s32 s7, s2  }
0x1e: {  	s7 =	smul.u32 @!p0 $0xF7A, s2;
	p2 =	seq.s32 @!p0 s5, $0x0  }
0x1f: {  	s9 =	smul.u32 $0xF7A, s1;
	s8 =	simm.s32 @!p0 $0x1BF5;
	p2 =	por !p2, p0  }
0x20: {  	[sflag:s8] =	ssyncset.s32 @!p0 $0xFFFFF086;
	s6 =	sadd.s32 @!p0 s3, s7;
	s7 =	simm.s32 @!p0 $0x108  }
0x21: {  	s3 =	sadd.s32 s3, s9;
	s6 =	sadd.s32 @!p0 $0x88, s6;
	s7 =	simm.s32 @p2 $0x1082  }
0x22: {  	[simem:s7], [sflag:s8] =	dma.local @!p0 [hbm:s6], $0xF7A  }
0x23: {  	s9 =	sor.u32 $0xD0000000, s2;
	s6 =	simm.s32 $0x108;
	_ =	swait.ge @!p0 [sflag:s8], $0x0  }
0x24: {  	s3 =	sadd.s32 $0x88, s3;
	s6 =	simm.s32 @!p1 $0x1082;
	[sflag:s4] =	ssyncset.s32 $0xFFFFF086  }
0x25: {  	[simem:s6], [sflag:s4] =	dma.local [hbm:s3], $0xF7A  }
0x26: {  	[smem:$0x3F84] =	sst s1;
	(tag) =	ssettag s2;
	_ =	strace s9  }
0x27: {  	s1 =	sld [smem:$0x3F94]  }
0x28: {  	s2 =	sld [smem:$0x3F95]  }
0x29: {  	s4 =	sld [smem:$0x3F97]  }
0x2a: {  	p0 =	seq.s32 s5, $0x0;
	s5 =	sld [smem:$0x3F98]  }
0x2b: {  	s6 =	sld [smem:$0x3F99]  }
0x2c: {  	s7 =	sld [smem:$0x3F9A]  }
0x2d: {  	s3 =	simm.s32 $0x108;
	s8 =	sld [smem:$0x3F9B]  }
0x2e: {  	s3 =	simm.s32 @!p0 $0x1082;
	s9 =	sld [smem:$0x3F9C]  }
0x2f: {  	lr =	sadd.s32 s0, s3;
	s0 =	sld [smem:$0x3F93]  }
0x30: {  	s3 =	sld [smem:$0x3F96]  }
0x31: {  	[smem:$0x3F9F] =	sst s10  }
0x32: {  	s10 =	sld [smem:$0x3F9D];
	_ =	sdelay $0x3  }
0x33: {  	p0 =	seq.s32 s10, $0x1;
	s10 =	sld [smem:$0x3F9F];
	_ =	sdelay $0x3  }
0x34: {  	[smem:$0x3F9F] =	sst s10  }
0x35: {  	s10 =	sld [smem:$0x3F9E];
	_ =	sdelay $0x3  }
0x36: {  	p1 =	seq.s32 s10, $0x1;
	s10 =	sld [smem:$0x3F9F];
	_ =	sdelay $0x3  }
0x37: {  	[smem:$0x3F9F] =	sst s10  }
0x38: {  	s10 =	sld [smem:$0x3FA0]  }
0x39: {  	_ = 	snop;
	(pc) =	sbr.ind lr, $3  }
0x3a: {  	_ = 	snop  }
0x3b: {  	_ = 	snop  }
0x3c: {  	p2 =	seq.s32 s10, $0x1;
	s10 =	sld [smem:$0x3F9F]  }
0x3d: {  	_ =	shalt  }
0x3e: {  	_ =	shalt  }
0x3f: {  	_ =	shalt  }
0x40: {  	_ =	shalt  }
0x41: {  	_ =	shalt  }
0x42: {  	_ =	shalt  }
0x43: {  	_ =	shalt  }
0x44: {  	_ =	shalt  }
0x45: {  	_ =	shalt  }
0x46: {  	_ =	shalt  }
0x47: {  	_ =	shalt  }
0x48: {  	_ =	shalt  }
0x49: {  	_ =	shalt  }
0x4a: {  	_ =	shalt  }
0x4b: {  	_ =	shalt  }
0x4c: {  	_ =	shalt  }
0x4d: {  	_ =	shalt  }
0x4e: {  	_ =	shalt  }
0x4f: {  	_ =	shalt  }
0x50: {  	_ =	shalt  }
0x51: {  	_ =	shalt  }
0x52: {  	_ =	shalt  }
0x53: {  	_ =	shalt  }
0x54: {  	_ =	shalt  }
0x55: {  	_ =	shalt  }
0x56: {  	_ =	shalt  }
0x57: {  	_ =	shalt  }
0x58: {  	_ =	shalt  }
0x59: {  	_ =	shalt  }
0x5a: {  	_ =	shalt  }
0x5b: {  	_ =	shalt  }
0x5c: {  	_ =	shalt  }
0x5d: {  	_ =	shalt  }
0x5e: {  	_ =	shalt  }
0x5f: {  	_ =	shalt  }
0x60: {  	_ =	shalt  }
0x61: {  	_ =	shalt  }
0x62: {  	_ =	shalt  }
0x63: {  	_ =	shalt  }
0x64: {  	_ =	shalt  }
0x65: {  	_ =	shalt  }
0x66: {  	_ =	shalt  }
0x67: {  	_ =	shalt  }
0x68: {  	_ =	shalt  }
0x69: {  	_ =	shalt  }
0x6a: {  	_ =	shalt  }
0x6b: {  	_ =	shalt  }
0x6c: {  	_ =	shalt  }
0x6d: {  	_ =	shalt  }
0x6e: {  	_ =	shalt  }
0x6f: {  	_ =	shalt  }
0x70: {  	_ =	shalt  }
0x71: {  	_ =	shalt  }
0x72: {  	_ =	shalt  }
0x73: {  	_ =	shalt  }
0x74: {  	_ =	shalt  }
0x75: {  	_ =	shalt  }
0x76: {  	_ =	shalt  }
0x77: {  	_ =	shalt  }
0x78: {  	_ =	shalt  }
0x79: {  	_ =	shalt  }
0x7a: {  	_ =	shalt  }
0x7b: {  	_ =	shalt  }
0x7c: {  	_ =	shalt  }
0x7d: {  	_ =	shalt  }
0x7e: {  	_ =	shalt  }
0x7f: {  	_ =	shalt  }
0x80: {  	_ =	shalt  }
0x81: {  	_ =	shalt  }
0x82: {  	_ =	shalt  }
0x83: {  	_ =	shalt  }
0x84: {  	_ =	shalt  }
0x85: {  	_ =	shalt  }
0x86: {  	_ =	shalt  }
0x87: {  	_ =	shalt  }
.Lfunc_end0:
.L_simem_size_0:
called_computation.1_lowered:
.L_overlay_start_0:
0x88: {  	s2 =	sld [smem:$0x3FD9]  }
0x89: {  	s3 =	sld [smem:$0x3FFE];
	_ =	sdelay $0x1  }
0x8a: {  	s1 =	srdreg.scid  }
0x8b: {  	s0 =	sand.u32 $0x1, s1  }
0x8c: {  	s16 =	sshll.u32 s0, $0xA;
	s2 =	sadd.s32 s3, s2  }
0x8d: {  	s2 =	sadd.s32 s2, s16  }
0x8e: {  	[smem:$0x3FAB] =	sst s2  }
0x8f: {  	_ = 	snop  }
0x90: {  	(tm) =	ssettm $0x1  }
0x91: {  	s17 =	sld [smem:$0x3FFB];
	_ =	sdelay $0x3  }
0x92: {  	_ =	strace s17  }
0x93: {  	s2 =	sld [smem:$0x3FFC];
	_ =	sdelay $0x3  }
0x94: {  	_ =	strace s2  }
0x95: {  	s2 =	sld [smem:$0x3FFD];
	_ =	sdelay $0x3  }
0x96: {  	_ =	strace s2  }
0x97: {  	_ =	strace $0x8FFFFFFF  }
0x98: {  	s18 =	sld [smem:$0x3FDB];
	_ =	sdelay $0x1  }
0x99: {  	s19 =	simm.s32 $_scs_section_size  }
0x9a: {  	s4 =	simm.s32 $_size__tile_overlayer_lowered;
	s5 =	simm.s32 $_tile_overlayer_lowered  }
0x9b: {  	s22 =	simm.s32 $0x1BFF;
	s21 =	sshll.u32 s5, $0x1;
	s2 =	sadd.s32 s19, s18  }
0x9c: {  	s6 =	simm.s32 $0x0;
	s20 =	sshll.u32 s4, $0x1;
	s4 =	sadd.s32 s21, s2  }
0x9d: {  	[timem:s6], [sflag:s22] =	dma.local [hbm:s4], s20  }
0x9e: {  	_ =	swait.ge [sflag:s22], s20  }
0x9f: {  	s3 =	ssub.s32 $0x0, s20;
	[sflag:s22] =	ssyncset.done $0x0  }
0xa0: {  	[sflag:s22] =	ssyncadd.s32 s3;
	_ =	sdelay $0x1  }
0xa1: {  	s23 =	simm.s32 $0x1B8B  }
0xa2: {  	_ =	swait.ge [sflag:s23], $0x1  }
0xa3: {  	[sflag:s23] =	ssyncset.done $0x0  }
0xa4: {  	s25 =	simm.s32 $0x1B8E;
	s24 =	sld [smem:$0x3FFE];
	[sflag:s23] =	ssyncadd.s32 $0xFFFFFFFF  }
0xa5: {  	s26 =	simm.s32 $execute0_lowered;
	[smem:$0x3FD2] =	sst s25  }
0xa6: {  	s4 =	sshll.u32 s26, $0x1;
	_ =	strace $0x80000046;
	[dreg:$0x1] =	wrdreg $0xFFFFFFFF  }
0xa7: {  	s28 =	simm.s32 $_size_execute0_lowered;
	s2 =	sadd.s32 s2, s4;
	[dreg:$0x0] =	wrdreg $0x0  }
0xa8: {  	s4 =	sshll.u32 s28, $0x1;
	[dreg:$0x2] =	wrdreg s2  }
0xa9: {  	[dreg:$0x3] =	wrdreg s4  }
0xaa: {  	[dreg:$0x4] =	wrdreg $0xC0  }
0xab: {  	_ =	task [dreg:s6], $0x5FFFF  }
0xac: {  	[dreg:$0x1] =	wrdreg $0xFFFFFFFF  }
0xad: {  	[dreg:$0x0] =	wrdreg $0x60  }
0xae: {  	[dreg:$0x2] =	wrdreg s24  }
0xaf: {  	[dreg:$0x3] =	wrdreg $0x90000  }
0xb0: {  	[dreg:$0x4] =	wrdreg $0xA  }
0xb1: {  	_ =	task.clear_ibuf [dreg:s6], $0x5FFFF;
	_ =	strace $0x90000046  }
0xb2: {  	s29 =	simm.s32 $0xA;
	_ =	strace $0x80000048  }
0xb3: {  	_ =	swait.ge [sflag:s29], $0x1  }
0xb4: {  	[sflag:s29] =	ssyncadd.s32 $0xFFFFFFFF  }
0xb5: {  	_ =	strace $0x90000048  }
0xb6: {  	_ =	sfence  }
0xb7: {  	s30 =	sld [smem:$0x0];
	_ =	sdelay $0x2  }
0xb8: {  	s31 =	sshll.u32 s1, $0xD;
	s1 =	sshrl.u32 s1, $0x2  }
0xb9: {  	s3 =	sand.u32 $0x4000, s31;
	s1 =	sadd.s32 s1, s30  }
0xba: {  	s0 =	sor.u32 s3, s0;
	s1 =	sshll.u32 s1, $0x11  }
0xbb: {  	s0 =	sor.u32 s1, s0  }
0xbc: {  	s0 =	sadd.s32 $0x8F2B, s0  }
0xbd: {  	[sflag:s0] =	ssyncadd.remote.s32 $0x1  }
0xbe: {  	_ =	sfence.sel $0xFFFF  }
0xbf: {  	[dreg:$0x0] =	wrdreg $0xFFFFFFFF;
	(pc) =	sbr.abs _section_cstart, $3  }
0xc0: {  	[dreg:$0x1] =	wrdreg $0xFFFFFFFF  }
0xc1: {  	_ =	task.clear_ibuf [dreg:s6], $0x2FFFF;
	_ =	strace $0x9FFFFFFF  }
0xc2: {  	(tm) =	ssettm $0x7FFFFFFF  }
0xc3: {  	_ =	shalt  }
tec
execute0_lowered:
.L_overlay_start_1:
0x0: {  	(tag) =	ssettag $0x1  }
0x1: {  	s1 =	srdreg.scid;
	s5 =	rddreg [dreg:$0x0]  }
0x2: {  	s0 =	stileid.u32;
	s2 =	rddreg [dreg:$0x1];
	s3 =	simm.s32 $0x0  }
0x3: {  	s14 =	simm.s32 $0x80;
	s15 =	simm.s32 $0x5000;
	s16 =	simm.s32 $0x1  }
0x4: {  	s17 =	simm.s32 $0x0;
	s6 =	sand.u32 $0x1, s1;
	s1 =	rddreg [dreg:$0x2]  }
0x5: {  	s26 =	sshll.u32 s0, $0x1;
	[smem:$0x7FF] =	sst s3;
	s8 =	smul.u32 $0x14000, s0  }
0x6: {  	s29 =	smul.u32 $0x50000, s0;
	s31 =	sshll.u32 s0, $0x6;
	s4 =	sor.u32 s6, s26  }
0x7: {  	_ =	strace $0x80000047;
	s9 =	smul.u32 $0x140000, s6;
	s6 =	ssub.s32 $0x2, s6  }
0x8: {  	s7 =	smul.u32 $0x500, s4;
	s4 =	sadd.s32 $0x1AC00, s5;
	s28 =	sshrl.u32 s8, $0x3  }
0x9: {  	s11 =	sshrl.u32 s6, $0x1;
	s30 =	sshrl.u32 s29, $0x2;
	s8 =	sadd.s32 s8, s9  }
0xa: {  	s11 =	ssub.s32 s6, s11;
	s13 =	sadd.s32 s30, s2;
	s6 =	sor.u32 $0x1C02, s31  }
0xb: {  	s10 =	sadd.s32 s7, s5;
	s7 =	sadd.s32 s28, s5;
	s8 =	sshrl.u32 s8, $0x3  }
0xc: {  	s12 =	sadd.s32 s8, s5;
	s5 =	sadd.s32 $0x42C00, s7;
	s7 =	sadd.s32 $0x10C00, s10  }
0xd: {  	s8 =	sadd.s32 $0x6C00, s10;
	s10 =	smax.u32 s11, $0x1;
	s11 =	sshrl.u32 s13, $0x3  }
0xe: {  	s13 =	simm.s32 $0x2800;
	s9 =	sadd.s32 $0x6AC00, s12;
	s12 =	simm.s32 $0x2  }
.LBB2_1:
0xf: {  	[spmem:s11], [sflag:s6] =	dma.local [hbm:s5], $0x2800  }
0x10: {  	_ =	swait.ge [sflag:s12], $0x2800  }
0x11: {  	[sflag:s12] =	ssyncset.done $0x0  }
0x12: {  	[sflag:s12] =	ssyncadd.s32 $0xFFFFD800  }
0x13: {  	[tilespmem:s3], [sflag:$0x2] =	stream.linear.gather [hbm4b:s7+s3], $0x2800, $0x38;
	[tilespmem:$0x1D000] =	vst v63  }
0x14: {  	_ =	swait.ge [sflag:s12], $0x2800  }
0x15: {  	[sflag:s12] =	ssyncset.done $0x0  }
0x16: {  	[sflag:s12] =	ssyncadd.s32 $0xFFFFD800  }
0x17: {  	[tilespmem:s13], [sflag:$0x2] =	stream.linear.gather [hbm4b:s8+s3], $0x2800, $0x38;
	[tilespmem:$0x1D000] =	vst v63  }
0x18: {  	_ =	swait.ge [sflag:s12], $0x2800  }
0x19: {  	[sflag:s12] =	ssyncset.done $0x0  }
0x1a: {  	[sflag:s12] =	ssyncadd.s32 $0xFFFFD800  }
0x1b: {  	s18 =	simm.s32 $0x0;
	[bflag:$0x0] =	sbarrier.arrive $0xFFFF  }
0x1c: {  	[tilespmem:s15], [sflag:$0x1] =	stream.indirect.gather [hbm4b:s4+s14], $0x80, s18, s14, $0xb8;
	[tilespmem:$0x1D000] =	vst v63  }
0x1d: {  	_ =	swait.ge [sflag:s16], $0x4000  }
0x1e: {  	[sflag:s16] =	ssyncset.done $0x0  }
0x1f: {  	s31 =	simm.s32 $0x2800;
	[sflag:s16] =	ssyncadd.s32 $0xFFFFC000  }
0x20: {  	[spmem:s2] =	stream.indirect.scatter.add.f32 [tilespmem:s15], [sflag:$0x2], $0x80, s31, s14, $0xb8;
	[tilespmem:$0x1D000] =	vst v63  }
0x21: {  	_ =	swait.ge [sflag:s12], $0x4000  }
0x22: {  	s19 =	simm.s32 $0x400;
	s18 =	simm.s32 $0x200;
	[sflag:s12] =	ssyncset.done $0x0  }
.LBB2_2:
0x23: {  	s20 =	sshra.s32 s18, $0x2  }
0x24: {  	[sflag:s12] =	ssyncadd.s32 $0xFFFFC000;
	s18 =	smov.u32 s19;
	s21 =	sadd.s32 $0x200, s19  }
0x25: {  	[tilespmem:s15], [sflag:$0x1] =	stream.indirect.gather [hbm4b:s4+s14], $0x80, s20, s14, $0xb8;
	[tilespmem:$0x1D000] =	vst v63  }
0x26: {  	p0 =	sne.s32 s19, $0x9E00;
	_ =	swait.ge [sflag:s16], $0x4000  }
.Ltmp0:
0x27: {  	[sflag:s16] =	ssyncset.done $0x0;
	(pc) =	sbr.rel @p0 .LBB2_2-.Ltmp0, $4  }
0x28: {  	s19 =	sadd.s32 $0x2800, s20;
	[sflag:s16] =	ssyncadd.s32 $0xFFFFC000  }
0x29: {  	[spmem:s2] =	stream.indirect.scatter.add.f32 [tilespmem:s15], [sflag:$0x2], $0x80, s19, s14, $0xb8;
	[tilespmem:$0x1D000] =	vst v63  }
0x2a: {  	_ =	swait.ge [sflag:s12], $0x4000  }
0x2b: {  	s19 =	smov.u32 s21;
	[sflag:s12] =	ssyncset.done $0x0  }
0x2c: {  	s18 =	sshra.s32 s18, $0x2;
	[sflag:s12] =	ssyncadd.s32 $0xFFFFC000  }
0x2d: {  	[tilespmem:s15], [sflag:$0x1] =	stream.indirect.gather [hbm4b:s4+s14], $0x80, s18, s14, $0xb8;
	[tilespmem:$0x1D000] =	vst v63  }
0x2e: {  	_ =	swait.ge [sflag:s16], $0x4000  }
0x2f: {  	[sflag:s16] =	ssyncset.done $0x0  }
0x30: {  	s18 =	sadd.s32 $0x2800, s18;
	[sflag:s16] =	ssyncadd.s32 $0xFFFFC000  }
0x31: {  	[spmem:s2] =	stream.indirect.scatter.add.f32 [tilespmem:s15], [sflag:$0x2], $0x80, s18, s14, $0xb8;
	[tilespmem:$0x1D000] =	vst v63  }
0x32: {  	_ =	swait.ge [sflag:s12], $0x4000  }
0x33: {  	s17 =	sadd.s32 $0x1, s17;
	[sflag:s12] =	ssyncset.done $0x0  }
0x34: {  	p0 =	sne.s32 s17, s10;
	[sflag:s12] =	ssyncadd.s32 $0xFFFFC000  }
.Ltmp1:
0x35: {  	[bflag:$0x0] =	sbarrier.arrive $0xFFFF;
	(pc) =	sbr.rel @p0 .LBB2_1-.Ltmp1, $4  }
0x36: {  	[hbm:s9], [sflag:s6] =	dma.local [spmem:s11], $0x2800  }
0x37: {  	_ =	swait.ge [sflag:s12], $0x2800  }
0x38: {  	[sflag:s12] =	ssyncset.done $0x0  }
0x39: {  	[sflag:s12] =	ssyncadd.s32 $0xFFFFD800  }
0x3a: {  	_ =	sfence.sel $0x180000  }
0x3b: {  	[bflag:$0x0] =	sbarrier.arrive $0xFFFF  }
0x3c: {  	p0 =	sne.s32 s0, $0x0;
	_ =	strace $0x90000047  }
0x3d: {  	s0 =	sadd.s32 @!p0 $0x100000, s1;
	[bflag:$0x2] =	sbarrier.arrive $0xFFFF  }
0x3e: {  	[sflag:s0] =	ssyncadd.tile.s32 @!p0 $0x1;
	_ =	shalt  }
.Lfunc_end2:
_tile_overlayer_lowered:
.L_overlay_start_2:
0x3f: {  	(tag) =	ssettag $0x2  }
0x40: {  	s0 =	rddreg [dreg:$0x0];
	s2 =	stileid.u32  }
0x41: {  	s1 =	rddreg [dreg:$0x1];
	p0 =	sne.s32 s2, $0x0  }
0x42: {  	s3 =	rddreg [dreg:$0x2];
	[bflag:$0x3] =	sbarrier.arrive $0xFFFF;
	s2 =	simm.s32 @!p0 $0x1C02  }
0x43: {  	[timem:s3], [sflag:s2] =	dma.local @!p0 [hbm:s0], s1  }
0x44: {  	s0 =	simm.s32 @!p0 $0x2  }
0x45: {  	_ =	swait.ge @!p0 [sflag:s0], s1  }
0x46: {  	s1 =	ssub.s32 @!p0 $0x0, s1;
	[sflag:s0] =	ssyncset.done @!p0 $0x0  }
0x47: {  	[sflag:s0] =	ssyncadd.s32 @!p0 s1  }
0x48: {  	[bflag:$0x3] =	sbarrier.arrive $0xFFFF  }
0x49: {  	_ =	shalt  }

// kernel: kernel.18.cloned.1.call-start
scs
__scs_entry_jumppad:
0x0: {  	(pc) =	sbr.rel $0x88, $3  }
0x1: {  	(tag) =	ssettag $0x0;
	lr =	simm.s32 $0x1  }
0x2: {  	[smem:$0x3F84] =	sst lr;
	_ =	strace $0xD0000000  }
0x3: {  	_ = 	snop  }
0x4: {  	_ = 	snop  }
0x5: {  	_ = 	snop  }
0x6: {  	_ = 	snop  }
0x7: {  	_ = 	snop  }
__scs_overlays_trampoline_lowered:
0x8: {  	[smem:$0x3F93] =	sst s0  }
0x9: {  	[smem:$0x3F94] =	sst s1  }
0xa: {  	[smem:$0x3F95] =	sst s2  }
0xb: {  	[smem:$0x3F96] =	sst s3  }
0xc: {  	[smem:$0x3F97] =	sst s4  }
0xd: {  	[smem:$0x3F98] =	sst s5  }
0xe: {  	[smem:$0x3F99] =	sst s6  }
0xf: {  	[smem:$0x3F9A] =	sst s7  }
0x10: {  	[smem:$0x3F9B] =	sst s8  }
0x11: {  	[smem:$0x3F9C] =	sst s9;
	s0 =	simm.s32 @!p0 $0x0  }
0x12: {  	s1 =	sld [smem:$0x3F82];
	s0 =	simm.s32 @p0 $0x1  }
0x13: {  	[smem:$0x3F9D] =	sst s0;
	s0 =	simm.s32 @!p1 $0x0  }
0x14: {  	s2 =	sld [smem:$0x3F81];
	s0 =	simm.s32 @p1 $0x1  }
0x15: {  	[smem:$0x3F9E] =	sst s0;
	s0 =	simm.s32 @!p2 $0x0  }
0x16: {  	s3 =	sld [smem:$0x3FDB];
	s0 =	simm.s32 @p2 $0x1  }
0x17: {  	s4 =	simm.s32 $0x1BF5;
	[smem:$0x3FA0] =	sst s0  }
0x18: {  	s0 =	sld [smem:$0x3F83];
	_ =	swait.ge [sflag:s4], $0x0  }
0x19: {  	s7 =	sld [smem:$0x3F84]  }
0x1a: {  	s8 =	sadd.s32 $0xFFFFE003, lr  }
0x1b: {  	s9 =	sadd.s32 $0xFFFFFEF7, lr;
	s5 =	simm.s32 $0xFFFFFFFF;
	p2 =	slt.u32 s8, $0xFFFFF086  }
0x1c: {  	p1 =	slt.u32 s9, $0xF7A;
	s5 =	simm.s32 @!p2 $0x0  }
0x1d: {  	s5 =	simm.s32 @p1 $0x1;
	p0 =	seq.s32 s7, s2  }
0x1e: {  	s7 =	smul.u32 @!p0 $0xF7A, s2;
	p2 =	seq.s32 @!p0 s5, $0x0  }
0x1f: {  	s9 =	smul.u32 $0xF7A, s1;
	s8 =	simm.s32 @!p0 $0x1BF5;
	p2 =	por !p2, p0  }
0x20: {  	[sflag:s8] =	ssyncset.s32 @!p0 $0xFFFFF086;
	s6 =	sadd.s32 @!p0 s3, s7;
	s7 =	simm.s32 @!p0 $0x108  }
0x21: {  	s3 =	sadd.s32 s3, s9;
	s6 =	sadd.s32 @!p0 $0x88, s6;
	s7 =	simm.s32 @p2 $0x1082  }
0x22: {  	[simem:s7], [sflag:s8] =	dma.local @!p0 [hbm:s6], $0xF7A  }
0x23: {  	s9 =	sor.u32 $0xD0000000, s2;
	s6 =	simm.s32 $0x108;
	_ =	swait.ge @!p0 [sflag:s8], $0x0  }
0x24: {  	s3 =	sadd.s32 $0x88, s3;
	s6 =	simm.s32 @!p1 $0x1082;
	[sflag:s4] =	ssyncset.s32 $0xFFFFF086  }
0x25: {  	[simem:s6], [sflag:s4] =	dma.local [hbm:s3], $0xF7A  }
0x26: {  	[smem:$0x3F84] =	sst s1;
	(tag) =	ssettag s2;
	_ =	strace s9  }
0x27: {  	s1 =	sld [smem:$0x3F94]  }
0x28: {  	s2 =	sld [smem:$0x3F95]  }
0x29: {  	s4 =	sld [smem:$0x3F97]  }
0x2a: {  	p0 =	seq.s32 s5, $0x0;
	s5 =	sld [smem:$0x3F98]  }
0x2b: {  	s6 =	sld [smem:$0x3F99]  }
0x2c: {  	s7 =	sld [smem:$0x3F9A]  }
0x2d: {  	s3 =	simm.s32 $0x108;
	s8 =	sld [smem:$0x3F9B]  }
0x2e: {  	s3 =	simm.s32 @!p0 $0x1082;
	s9 =	sld [smem:$0x3F9C]  }
0x2f: {  	lr =	sadd.s32 s0, s3;
	s0 =	sld [smem:$0x3F93]  }
0x30: {  	s3 =	sld [smem:$0x3F96]  }
0x31: {  	[smem:$0x3F9F] =	sst s10  }
0x32: {  	s10 =	sld [smem:$0x3F9D];
	_ =	sdelay $0x3  }
0x33: {  	p0 =	seq.s32 s10, $0x1;
	s10 =	sld [smem:$0x3F9F];
	_ =	sdelay $0x3  }
0x34: {  	[smem:$0x3F9F] =	sst s10  }
0x35: {  	s10 =	sld [smem:$0x3F9E];
	_ =	sdelay $0x3  }
0x36: {  	p1 =	seq.s32 s10, $0x1;
	s10 =	sld [smem:$0x3F9F];
	_ =	sdelay $0x3  }
0x37: {  	[smem:$0x3F9F] =	sst s10  }
0x38: {  	s10 =	sld [smem:$0x3FA0]  }
0x39: {  	_ = 	snop;
	(pc) =	sbr.ind lr, $3  }
0x3a: {  	_ = 	snop  }
0x3b: {  	_ = 	snop  }
0x3c: {  	p2 =	seq.s32 s10, $0x1;
	s10 =	sld [smem:$0x3F9F]  }
0x3d: {  	_ =	shalt  }
0x3e: {  	_ =	shalt  }
0x3f: {  	_ =	shalt  }
0x40: {  	_ =	shalt  }
0x41: {  	_ =	shalt  }
0x42: {  	_ =	shalt  }
0x43: {  	_ =	shalt  }
0x44: {  	_ =	shalt  }
0x45: {  	_ =	shalt  }
0x46: {  	_ =	shalt  }
0x47: {  	_ =	shalt  }
0x48: {  	_ =	shalt  }
0x49: {  	_ =	shalt  }
0x4a: {  	_ =	shalt  }
0x4b: {  	_ =	shalt  }
0x4c: {  	_ =	shalt  }
0x4d: {  	_ =	shalt  }
0x4e: {  	_ =	shalt  }
0x4f: {  	_ =	shalt  }
0x50: {  	_ =	shalt  }
0x51: {  	_ =	shalt  }
0x52: {  	_ =	shalt  }
0x53: {  	_ =	shalt  }
0x54: {  	_ =	shalt  }
0x55: {  	_ =	shalt  }
0x56: {  	_ =	shalt  }
0x57: {  	_ =	shalt  }
0x58: {  	_ =	shalt  }
0x59: {  	_ =	shalt  }
0x5a: {  	_ =	shalt  }
0x5b: {  	_ =	shalt  }
0x5c: {  	_ =	shalt  }
0x5d: {  	_ =	shalt  }
0x5e: {  	_ =	shalt  }
0x5f: {  	_ =	shalt  }
0x60: {  	_ =	shalt  }
0x61: {  	_ =	shalt  }
0x62: {  	_ =	shalt  }
0x63: {  	_ =	shalt  }
0x64: {  	_ =	shalt  }
0x65: {  	_ =	shalt  }
0x66: {  	_ =	shalt  }
0x67: {  	_ =	shalt  }
0x68: {  	_ =	shalt  }
0x69: {  	_ =	shalt  }
0x6a: {  	_ =	shalt  }
0x6b: {  	_ =	shalt  }
0x6c: {  	_ =	shalt  }
0x6d: {  	_ =	shalt  }
0x6e: {  	_ =	shalt  }
0x6f: {  	_ =	shalt  }
0x70: {  	_ =	shalt  }
0x71: {  	_ =	shalt  }
0x72: {  	_ =	shalt  }
0x73: {  	_ =	shalt  }
0x74: {  	_ =	shalt  }
0x75: {  	_ =	shalt  }
0x76: {  	_ =	shalt  }
0x77: {  	_ =	shalt  }
0x78: {  	_ =	shalt  }
0x79: {  	_ =	shalt  }
0x7a: {  	_ =	shalt  }
0x7b: {  	_ =	shalt  }
0x7c: {  	_ =	shalt  }
0x7d: {  	_ =	shalt  }
0x7e: {  	_ =	shalt  }
0x7f: {  	_ =	shalt  }
0x80: {  	_ =	shalt  }
0x81: {  	_ =	shalt  }
0x82: {  	_ =	shalt  }
0x83: {  	_ =	shalt  }
0x84: {  	_ =	shalt  }
0x85: {  	_ =	shalt  }
0x86: {  	_ =	shalt  }
0x87: {  	_ =	shalt  }
.Lfunc_end0:
.L_simem_size_0:
called_computation.2_lowered:
.L_overlay_start_0:
0x88: {  	s2 =	sld [smem:$0x3FD9]  }
0x89: {  	s3 =	sld [smem:$0x3FFE];
	_ =	sdelay $0x1  }
0x8a: {  	s1 =	srdreg.scid  }
0x8b: {  	s0 =	sand.u32 $0x1, s1  }
0x8c: {  	s16 =	sshll.u32 s0, $0xA;
	s2 =	sadd.s32 s3, s2  }
0x8d: {  	s2 =	sadd.s32 s2, s16  }
0x8e: {  	[smem:$0x3FAB] =	sst s2  }
0x8f: {  	_ = 	snop  }
0x90: {  	(tm) =	ssettm $0x1  }
0x91: {  	s17 =	sld [smem:$0x3FFB];
	_ =	sdelay $0x3  }
0x92: {  	_ =	strace s17  }
0x93: {  	s2 =	sld [smem:$0x3FFC];
	_ =	sdelay $0x3  }
0x94: {  	_ =	strace s2  }
0x95: {  	s2 =	sld [smem:$0x3FFD];
	_ =	sdelay $0x3  }
0x96: {  	_ =	strace s2  }
0x97: {  	_ =	strace $0x8FFFFFFF  }
0x98: {  	s18 =	sld [smem:$0x3FDB];
	_ =	sdelay $0x1  }
0x99: {  	s19 =	simm.s32 $_scs_section_size  }
0x9a: {  	s4 =	simm.s32 $_size__tile_overlayer_lowered;
	s5 =	simm.s32 $_tile_overlayer_lowered  }
0x9b: {  	s22 =	simm.s32 $0x1BFF;
	s21 =	sshll.u32 s5, $0x1;
	s2 =	sadd.s32 s19, s18  }
0x9c: {  	s6 =	simm.s32 $0x0;
	s20 =	sshll.u32 s4, $0x1;
	s4 =	sadd.s32 s21, s2  }
0x9d: {  	[timem:s6], [sflag:s22] =	dma.local [hbm:s4], s20  }
0x9e: {  	_ =	swait.ge [sflag:s22], s20  }
0x9f: {  	s3 =	ssub.s32 $0x0, s20;
	[sflag:s22] =	ssyncset.done $0x0  }
0xa0: {  	[sflag:s22] =	ssyncadd.s32 s3;
	_ =	sdelay $0x1  }
0xa1: {  	s23 =	simm.s32 $0x1B8B  }
0xa2: {  	_ =	swait.ge [sflag:s23], $0x1  }
0xa3: {  	[sflag:s23] =	ssyncset.done $0x0  }
0xa4: {  	s25 =	simm.s32 $0x1B8E;
	s24 =	sld [smem:$0x3FFE];
	[sflag:s23] =	ssyncadd.s32 $0xFFFFFFFF  }
0xa5: {  	s26 =	simm.s32 $execute0_lowered;
	[smem:$0x3FD2] =	sst s25  }
0xa6: {  	s4 =	sshll.u32 s26, $0x1;
	_ =	strace $0x8000004C;
	[dreg:$0x1] =	wrdreg $0xFFFFFFFF  }
0xa7: {  	s28 =	simm.s32 $_size_execute0_lowered;
	s2 =	sadd.s32 s2, s4;
	[dreg:$0x0] =	wrdreg $0x0  }
0xa8: {  	s4 =	sshll.u32 s28, $0x1;
	[dreg:$0x2] =	wrdreg s2  }
0xa9: {  	[dreg:$0x3] =	wrdreg s4  }
0xaa: {  	[dreg:$0x4] =	wrdreg $0xC0  }
0xab: {  	_ =	task [dreg:s6], $0x5FFFF  }
0xac: {  	[dreg:$0x1] =	wrdreg $0xFFFFFFFF  }
0xad: {  	[dreg:$0x0] =	wrdreg $0x60  }
0xae: {  	[dreg:$0x2] =	wrdreg s24  }
0xaf: {  	[dreg:$0x3] =	wrdreg $0x90000  }
0xb0: {  	[dreg:$0x4] =	wrdreg $0x9  }
0xb1: {  	_ =	task.clear_ibuf [dreg:s6], $0x5FFFF;
	_ =	strace $0x9000004C  }
0xb2: {  	s29 =	simm.s32 $0x9;
	_ =	strace $0x8000004E  }
0xb3: {  	_ =	swait.ge [sflag:s29], $0x1  }
0xb4: {  	[sflag:s29] =	ssyncadd.s32 $0xFFFFFFFF  }
0xb5: {  	_ =	strace $0x9000004E  }
0xb6: {  	_ =	sfence  }
0xb7: {  	s30 =	sld [smem:$0x0];
	_ =	sdelay $0x2  }
0xb8: {  	s31 =	sshll.u32 s1, $0xD;
	s1 =	sshrl.u32 s1, $0x2  }
0xb9: {  	s3 =	sand.u32 $0x4000, s31;
	s1 =	sadd.s32 s1, s30  }
0xba: {  	s0 =	sor.u32 s3, s0;
	s1 =	sshll.u32 s1, $0x11  }
0xbb: {  	s0 =	sor.u32 s1, s0  }
0xbc: {  	s0 =	sadd.s32 $0x8F2B, s0  }
0xbd: {  	[sflag:s0] =	ssyncadd.remote.s32 $0x1  }
0xbe: {  	_ =	sfence.sel $0xFFFF  }
0xbf: {  	[dreg:$0x0] =	wrdreg $0xFFFFFFFF;
	(pc) =	sbr.abs _section_cstart, $3  }
0xc0: {  	[dreg:$0x1] =	wrdreg $0xFFFFFFFF  }
0xc1: {  	_ =	task.clear_ibuf [dreg:s6], $0x2FFFF;
	_ =	strace $0x9FFFFFFF  }
0xc2: {  	(tm) =	ssettm $0x7FFFFFFF  }
0xc3: {  	_ =	shalt  }
tec
execute0_lowered:
.L_overlay_start_1:
0x0: {  	(tag) =	ssettag $0x1  }
0x1: {  	s1 =	srdreg.scid;
	s5 =	rddreg [dreg:$0x0]  }
0x2: {  	s0 =	stileid.u32;
	s2 =	rddreg [dreg:$0x1];
	s3 =	simm.s32 $0x0  }
0x3: {  	s14 =	simm.s32 $0x80;
	s15 =	simm.s32 $0x5000;
	s16 =	simm.s32 $0x1  }
0x4: {  	s17 =	simm.s32 $0x0;
	s6 =	sand.u32 $0x1, s1;
	s1 =	rddreg [dreg:$0x2]  }
0x5: {  	s26 =	sshll.u32 s0, $0x1;
	[smem:$0x7FF] =	sst s3;
	s8 =	smul.u32 $0x14000, s0  }
0x6: {  	s29 =	smul.u32 $0x50000, s0;
	s31 =	sshll.u32 s0, $0x6;
	s4 =	sor.u32 s6, s26  }
0x7: {  	_ =	strace $0x8000004D;
	s9 =	smul.u32 $0x140000, s6;
	s6 =	ssub.s32 $0x2, s6  }
0x8: {  	s7 =	smul.u32 $0x500, s4;
	s4 =	sadd.s32 $0x1AC00, s5;
	s28 =	sshrl.u32 s8, $0x3  }
0x9: {  	s11 =	sshrl.u32 s6, $0x1;
	s30 =	sshrl.u32 s29, $0x2;
	s8 =	sadd.s32 s8, s9  }
0xa: {  	s11 =	ssub.s32 s6, s11;
	s13 =	sadd.s32 s30, s2;
	s6 =	sor.u32 $0x1C02, s31  }
0xb: {  	s10 =	sadd.s32 s7, s5;
	s7 =	sadd.s32 s28, s5;
	s8 =	sshrl.u32 s8, $0x3  }
0xc: {  	s12 =	sadd.s32 s8, s5;
	s5 =	sadd.s32 $0x42C00, s7;
	s7 =	sadd.s32 $0x10C00, s10  }
0xd: {  	s8 =	sadd.s32 $0x6C00, s10;
	s10 =	smax.u32 s11, $0x1;
	s11 =	sshrl.u32 s13, $0x3  }
0xe: {  	s13 =	simm.s32 $0x2800;
	s9 =	sadd.s32 $0x6AC00, s12;
	s12 =	simm.s32 $0x2  }
.LBB2_1:
0xf: {  	[spmem:s11], [sflag:s6] =	dma.local [hbm:s5], $0x2800  }
0x10: {  	_ =	swait.ge [sflag:s12], $0x2800  }
0x11: {  	[sflag:s12] =	ssyncset.done $0x0  }
0x12: {  	[sflag:s12] =	ssyncadd.s32 $0xFFFFD800  }
0x13: {  	[tilespmem:s3], [sflag:$0x2] =	stream.linear.gather [hbm4b:s7+s3], $0x2800, $0x38;
	[tilespmem:$0x1D000] =	vst v63  }
0x14: {  	_ =	swait.ge [sflag:s12], $0x2800  }
0x15: {  	[sflag:s12] =	ssyncset.done $0x0  }
0x16: {  	[sflag:s12] =	ssyncadd.s32 $0xFFFFD800  }
0x17: {  	[tilespmem:s13], [sflag:$0x2] =	stream.linear.gather [hbm4b:s8+s3], $0x2800, $0x38;
	[tilespmem:$0x1D000] =	vst v63  }
0x18: {  	_ =	swait.ge [sflag:s12], $0x2800  }
0x19: {  	[sflag:s12] =	ssyncset.done $0x0  }
0x1a: {  	[sflag:s12] =	ssyncadd.s32 $0xFFFFD800  }
0x1b: {  	s18 =	simm.s32 $0x0;
	[bflag:$0x0] =	sbarrier.arrive $0xFFFF  }
0x1c: {  	[tilespmem:s15], [sflag:$0x1] =	stream.indirect.gather [hbm4b:s4+s14], $0x80, s18, s14, $0xb8;
	[tilespmem:$0x1D000] =	vst v63  }
0x1d: {  	_ =	swait.ge [sflag:s16], $0x4000  }
0x1e: {  	[sflag:s16] =	ssyncset.done $0x0  }
0x1f: {  	s31 =	simm.s32 $0x2800;
	[sflag:s16] =	ssyncadd.s32 $0xFFFFC000  }
0x20: {  	[spmem:s2] =	stream.indirect.scatter.add.f32 [tilespmem:s15], [sflag:$0x2], $0x80, s31, s14, $0xb8;
	[tilespmem:$0x1D000] =	vst v63  }
0x21: {  	_ =	swait.ge [sflag:s12], $0x4000  }
0x22: {  	s19 =	simm.s32 $0x400;
	s18 =	simm.s32 $0x200;
	[sflag:s12] =	ssyncset.done $0x0  }
.LBB2_2:
0x23: {  	s20 =	sshra.s32 s18, $0x2  }
0x24: {  	[sflag:s12] =	ssyncadd.s32 $0xFFFFC000;
	s18 =	smov.u32 s19;
	s21 =	sadd.s32 $0x200, s19  }
0x25: {  	[tilespmem:s15], [sflag:$0x1] =	stream.indirect.gather [hbm4b:s4+s14], $0x80, s20, s14, $0xb8;
	[tilespmem:$0x1D000] =	vst v63  }
0x26: {  	p0 =	sne.s32 s19, $0x9E00;
	_ =	swait.ge [sflag:s16], $0x4000  }
.Ltmp0:
0x27: {  	[sflag:s16] =	ssyncset.done $0x0;
	(pc) =	sbr.rel @p0 .LBB2_2-.Ltmp0, $4  }
0x28: {  	s19 =	sadd.s32 $0x2800, s20;
	[sflag:s16] =	ssyncadd.s32 $0xFFFFC000  }
0x29: {  	[spmem:s2] =	stream.indirect.scatter.add.f32 [tilespmem:s15], [sflag:$0x2], $0x80, s19, s14, $0xb8;
	[tilespmem:$0x1D000] =	vst v63  }
0x2a: {  	_ =	swait.ge [sflag:s12], $0x4000  }
0x2b: {  	s19 =	smov.u32 s21;
	[sflag:s12] =	ssyncset.done $0x0  }
0x2c: {  	s18 =	sshra.s32 s18, $0x2;
	[sflag:s12] =	ssyncadd.s32 $0xFFFFC000  }
0x2d: {  	[tilespmem:s15], [sflag:$0x1] =	stream.indirect.gather [hbm4b:s4+s14], $0x80, s18, s14, $0xb8;
	[tilespmem:$0x1D000] =	vst v63  }
0x2e: {  	_ =	swait.ge [sflag:s16], $0x4000  }
0x2f: {  	[sflag:s16] =	ssyncset.done $0x0  }
0x30: {  	s18 =	sadd.s32 $0x2800, s18;
	[sflag:s16] =	ssyncadd.s32 $0xFFFFC000  }
0x31: {  	[spmem:s2] =	stream.indirect.scatter.add.f32 [tilespmem:s15], [sflag:$0x2], $0x80, s18, s14, $0xb8;
	[tilespmem:$0x1D000] =	vst v63  }
0x32: {  	_ =	swait.ge [sflag:s12], $0x4000  }
0x33: {  	s17 =	sadd.s32 $0x1, s17;
	[sflag:s12] =	ssyncset.done $0x0  }
0x34: {  	p0 =	sne.s32 s17, s10;
	[sflag:s12] =	ssyncadd.s32 $0xFFFFC000  }
.Ltmp1:
0x35: {  	[bflag:$0x0] =	sbarrier.arrive $0xFFFF;
	(pc) =	sbr.rel @p0 .LBB2_1-.Ltmp1, $4  }
0x36: {  	[hbm:s9], [sflag:s6] =	dma.local [spmem:s11], $0x2800  }
0x37: {  	_ =	swait.ge [sflag:s12], $0x2800  }
0x38: {  	[sflag:s12] =	ssyncset.done $0x0  }
0x39: {  	[sflag:s12] =	ssyncadd.s32 $0xFFFFD800  }
0x3a: {  	_ =	sfence.sel $0x180000  }
0x3b: {  	[bflag:$0x0] =	sbarrier.arrive $0xFFFF  }
0x3c: {  	p0 =	sne.s32 s0, $0x0;
	_ =	strace $0x9000004D  }
0x3d: {  	s0 =	sadd.s32 @!p0 $0x100000, s1;
	[bflag:$0x2] =	sbarrier.arrive $0xFFFF  }
0x3e: {  	[sflag:s0] =	ssyncadd.tile.s32 @!p0 $0x1;
	_ =	shalt  }
.Lfunc_end2:
_tile_overlayer_lowered:
.L_overlay_start_2:
0x3f: {  	(tag) =	ssettag $0x2  }
0x40: {  	s0 =	rddreg [dreg:$0x0];
	s2 =	stileid.u32  }
0x41: {  	s1 =	rddreg [dreg:$0x1];
	p0 =	sne.s32 s2, $0x0  }
0x42: {  	s3 =	rddreg [dreg:$0x2];
	[bflag:$0x3] =	sbarrier.arrive $0xFFFF;
	s2 =	simm.s32 @!p0 $0x1C02  }
0x43: {  	[timem:s3], [sflag:s2] =	dma.local @!p0 [hbm:s0], s1  }
0x44: {  	s0 =	simm.s32 @!p0 $0x2  }
0x45: {  	_ =	swait.ge @!p0 [sflag:s0], s1  }
0x46: {  	s1 =	ssub.s32 @!p0 $0x0, s1;
	[sflag:s0] =	ssyncset.done @!p0 $0x0  }
0x47: {  	[sflag:s0] =	ssyncadd.s32 @!p0 s1  }
0x48: {  	[bflag:$0x3] =	sbarrier.arrive $0xFFFF  }
0x49: {  	_ =	shalt  }

// kernel: kernel.21.cloned.1.call-start
scs
__scs_entry_jumppad:
0x0: {  	(pc) =	sbr.rel $0x88, $3  }
0x1: {  	(tag) =	ssettag $0x0;
	lr =	simm.s32 $0x1  }
0x2: {  	[smem:$0x3F84] =	sst lr;
	_ =	strace $0xD0000000  }
0x3: {  	_ = 	snop  }
0x4: {  	_ = 	snop  }
0x5: {  	_ = 	snop  }
0x6: {  	_ = 	snop  }
0x7: {  	_ = 	snop  }
__scs_overlays_trampoline_lowered:
0x8: {  	[smem:$0x3F93] =	sst s0  }
0x9: {  	[smem:$0x3F94] =	sst s1  }
0xa: {  	[smem:$0x3F95] =	sst s2  }
0xb: {  	[smem:$0x3F96] =	sst s3  }
0xc: {  	[smem:$0x3F97] =	sst s4  }
0xd: {  	[smem:$0x3F98] =	sst s5  }
0xe: {  	[smem:$0x3F99] =	sst s6  }
0xf: {  	[smem:$0x3F9A] =	sst s7  }
0x10: {  	[smem:$0x3F9B] =	sst s8  }
0x11: {  	[smem:$0x3F9C] =	sst s9;
	s0 =	simm.s32 @!p0 $0x0  }
0x12: {  	s1 =	sld [smem:$0x3F82];
	s0 =	simm.s32 @p0 $0x1  }
0x13: {  	[smem:$0x3F9D] =	sst s0;
	s0 =	simm.s32 @!p1 $0x0  }
0x14: {  	s2 =	sld [smem:$0x3F81];
	s0 =	simm.s32 @p1 $0x1  }
0x15: {  	[smem:$0x3F9E] =	sst s0;
	s0 =	simm.s32 @!p2 $0x0  }
0x16: {  	s3 =	sld [smem:$0x3FDB];
	s0 =	simm.s32 @p2 $0x1  }
0x17: {  	s4 =	simm.s32 $0x1BF5;
	[smem:$0x3FA0] =	sst s0  }
0x18: {  	s0 =	sld [smem:$0x3F83];
	_ =	swait.ge [sflag:s4], $0x0  }
0x19: {  	s7 =	sld [smem:$0x3F84]  }
0x1a: {  	s8 =	sadd.s32 $0xFFFFE003, lr  }
0x1b: {  	s9 =	sadd.s32 $0xFFFFFEF7, lr;
	s5 =	simm.s32 $0xFFFFFFFF;
	p2 =	slt.u32 s8, $0xFFFFF086  }
0x1c: {  	p1 =	slt.u32 s9, $0xF7A;
	s5 =	simm.s32 @!p2 $0x0  }
0x1d: {  	s5 =	simm.s32 @p1 $0x1;
	p0 =	seq.s32 s7, s2  }
0x1e: {  	s7 =	smul.u32 @!p0 $0xF7A, s2;
	p2 =	seq.s32 @!p0 s5, $0x0  }
0x1f: {  	s9 =	smul.u32 $0xF7A, s1;
	s8 =	simm.s32 @!p0 $0x1BF5;
	p2 =	por !p2, p0  }
0x20: {  	[sflag:s8] =	ssyncset.s32 @!p0 $0xFFFFF086;
	s6 =	sadd.s32 @!p0 s3, s7;
	s7 =	simm.s32 @!p0 $0x108  }
0x21: {  	s3 =	sadd.s32 s3, s9;
	s6 =	sadd.s32 @!p0 $0x88, s6;
	s7 =	simm.s32 @p2 $0x1082  }
0x22: {  	[simem:s7], [sflag:s8] =	dma.local @!p0 [hbm:s6], $0xF7A  }
0x23: {  	s9 =	sor.u32 $0xD0000000, s2;
	s6 =	simm.s32 $0x108;
	_ =	swait.ge @!p0 [sflag:s8], $0x0  }
0x24: {  	s3 =	sadd.s32 $0x88, s3;
	s6 =	simm.s32 @!p1 $0x1082;
	[sflag:s4] =	ssyncset.s32 $0xFFFFF086  }
0x25: {  	[simem:s6], [sflag:s4] =	dma.local [hbm:s3], $0xF7A  }
0x26: {  	[smem:$0x3F84] =	sst s1;
	(tag) =	ssettag s2;
	_ =	strace s9  }
0x27: {  	s1 =	sld [smem:$0x3F94]  }
0x28: {  	s2 =	sld [smem:$0x3F95]  }
0x29: {  	s4 =	sld [smem:$0x3F97]  }
0x2a: {  	p0 =	seq.s32 s5, $0x0;
	s5 =	sld [smem:$0x3F98]  }
0x2b: {  	s6 =	sld [smem:$0x3F99]  }
0x2c: {  	s7 =	sld [smem:$0x3F9A]  }
0x2d: {  	s3 =	simm.s32 $0x108;
	s8 =	sld [smem:$0x3F9B]  }
0x2e: {  	s3 =	simm.s32 @!p0 $0x1082;
	s9 =	sld [smem:$0x3F9C]  }
0x2f: {  	lr =	sadd.s32 s0, s3;
	s0 =	sld [smem:$0x3F93]  }
0x30: {  	s3 =	sld [smem:$0x3F96]  }
0x31: {  	[smem:$0x3F9F] =	sst s10  }
0x32: {  	s10 =	sld [smem:$0x3F9D];
	_ =	sdelay $0x3  }
0x33: {  	p0 =	seq.s32 s10, $0x1;
	s10 =	sld [smem:$0x3F9F];
	_ =	sdelay $0x3  }
0x34: {  	[smem:$0x3F9F] =	sst s10  }
0x35: {  	s10 =	sld [smem:$0x3F9E];
	_ =	sdelay $0x3  }
0x36: {  	p1 =	seq.s32 s10, $0x1;
	s10 =	sld [smem:$0x3F9F];
	_ =	sdelay $0x3  }
0x37: {  	[smem:$0x3F9F] =	sst s10  }
0x38: {  	s10 =	sld [smem:$0x3FA0]  }
0x39: {  	_ = 	snop;
	(pc) =	sbr.ind lr, $3  }
0x3a: {  	_ = 	snop  }
0x3b: {  	_ = 	snop  }
0x3c: {  	p2 =	seq.s32 s10, $0x1;
	s10 =	sld [smem:$0x3F9F]  }
0x3d: {  	_ =	shalt  }
0x3e: {  	_ =	shalt  }
0x3f: {  	_ =	shalt  }
0x40: {  	_ =	shalt  }
0x41: {  	_ =	shalt  }
0x42: {  	_ =	shalt  }
0x43: {  	_ =	shalt  }
0x44: {  	_ =	shalt  }
0x45: {  	_ =	shalt  }
0x46: {  	_ =	shalt  }
0x47: {  	_ =	shalt  }
0x48: {  	_ =	shalt  }
0x49: {  	_ =	shalt  }
0x4a: {  	_ =	shalt  }
0x4b: {  	_ =	shalt  }
0x4c: {  	_ =	shalt  }
0x4d: {  	_ =	shalt  }
0x4e: {  	_ =	shalt  }
0x4f: {  	_ =	shalt  }
0x50: {  	_ =	shalt  }
0x51: {  	_ =	shalt  }
0x52: {  	_ =	shalt  }
0x53: {  	_ =	shalt  }
0x54: {  	_ =	shalt  }
0x55: {  	_ =	shalt  }
0x56: {  	_ =	shalt  }
0x57: {  	_ =	shalt  }
0x58: {  	_ =	shalt  }
0x59: {  	_ =	shalt  }
0x5a: {  	_ =	shalt  }
0x5b: {  	_ =	shalt  }
0x5c: {  	_ =	shalt  }
0x5d: {  	_ =	shalt  }
0x5e: {  	_ =	shalt  }
0x5f: {  	_ =	shalt  }
0x60: {  	_ =	shalt  }
0x61: {  	_ =	shalt  }
0x62: {  	_ =	shalt  }
0x63: {  	_ =	shalt  }
0x64: {  	_ =	shalt  }
0x65: {  	_ =	shalt  }
0x66: {  	_ =	shalt  }
0x67: {  	_ =	shalt  }
0x68: {  	_ =	shalt  }
0x69: {  	_ =	shalt  }
0x6a: {  	_ =	shalt  }
0x6b: {  	_ =	shalt  }
0x6c: {  	_ =	shalt  }
0x6d: {  	_ =	shalt  }
0x6e: {  	_ =	shalt  }
0x6f: {  	_ =	shalt  }
0x70: {  	_ =	shalt  }
0x71: {  	_ =	shalt  }
0x72: {  	_ =	shalt  }
0x73: {  	_ =	shalt  }
0x74: {  	_ =	shalt  }
0x75: {  	_ =	shalt  }
0x76: {  	_ =	shalt  }
0x77: {  	_ =	shalt  }
0x78: {  	_ =	shalt  }
0x79: {  	_ =	shalt  }
0x7a: {  	_ =	shalt  }
0x7b: {  	_ =	shalt  }
0x7c: {  	_ =	shalt  }
0x7d: {  	_ =	shalt  }
0x7e: {  	_ =	shalt  }
0x7f: {  	_ =	shalt  }
0x80: {  	_ =	shalt  }
0x81: {  	_ =	shalt  }
0x82: {  	_ =	shalt  }
0x83: {  	_ =	shalt  }
0x84: {  	_ =	shalt  }
0x85: {  	_ =	shalt  }
0x86: {  	_ =	shalt  }
0x87: {  	_ =	shalt  }
.Lfunc_end0:
.L_simem_size_0:
called_computation.3_lowered:
.L_overlay_start_0:
0x88: {  	s2 =	sld [smem:$0x3FD9]  }
0x89: {  	s3 =	sld [smem:$0x3FFE];
	_ =	sdelay $0x1  }
0x8a: {  	s1 =	srdreg.scid  }
0x8b: {  	s0 =	sand.u32 $0x1, s1  }
0x8c: {  	s16 =	sshll.u32 s0, $0xA;
	s2 =	sadd.s32 s3, s2  }
0x8d: {  	s2 =	sadd.s32 s2, s16  }
0x8e: {  	[smem:$0x3FAB] =	sst s2  }
0x8f: {  	_ = 	snop  }
0x90: {  	(tm) =	ssettm $0x1  }
0x91: {  	s17 =	sld [smem:$0x3FFB];
	_ =	sdelay $0x3  }
0x92: {  	_ =	strace s17  }
0x93: {  	s2 =	sld [smem:$0x3FFC];
	_ =	sdelay $0x3  }
0x94: {  	_ =	strace s2  }
0x95: {  	s2 =	sld [smem:$0x3FFD];
	_ =	sdelay $0x3  }
0x96: {  	_ =	strace s2  }
0x97: {  	_ =	strace $0x8FFFFFFF  }
0x98: {  	s18 =	sld [smem:$0x3FDB];
	_ =	sdelay $0x1  }
0x99: {  	s19 =	simm.s32 $_scs_section_size  }
0x9a: {  	s4 =	simm.s32 $_size__tile_overlayer_lowered;
	s5 =	simm.s32 $_tile_overlayer_lowered  }
0x9b: {  	s22 =	simm.s32 $0x1BFF;
	s21 =	sshll.u32 s5, $0x1;
	s2 =	sadd.s32 s19, s18  }
0x9c: {  	s6 =	simm.s32 $0x0;
	s20 =	sshll.u32 s4, $0x1;
	s4 =	sadd.s32 s21, s2  }
0x9d: {  	[timem:s6], [sflag:s22] =	dma.local [hbm:s4], s20  }
0x9e: {  	_ =	swait.ge [sflag:s22], s20  }
0x9f: {  	s3 =	ssub.s32 $0x0, s20;
	[sflag:s22] =	ssyncset.done $0x0  }
0xa0: {  	[sflag:s22] =	ssyncadd.s32 s3;
	_ =	sdelay $0x1  }
0xa1: {  	s23 =	simm.s32 $0x1B8B  }
0xa2: {  	_ =	swait.ge [sflag:s23], $0x1  }
0xa3: {  	[sflag:s23] =	ssyncset.done $0x0  }
0xa4: {  	s25 =	simm.s32 $0x1B8E;
	s24 =	sld [smem:$0x3FFE];
	[sflag:s23] =	ssyncadd.s32 $0xFFFFFFFF  }
0xa5: {  	s26 =	simm.s32 $execute0_lowered;
	[smem:$0x3FD2] =	sst s25  }
0xa6: {  	s4 =	sshll.u32 s26, $0x1;
	_ =	strace $0x8000004F;
	[dreg:$0x1] =	wrdreg $0xFFFFFFFF  }
0xa7: {  	s28 =	simm.s32 $_size_execute0_lowered;
	s2 =	sadd.s32 s2, s4;
	[dreg:$0x0] =	wrdreg $0x0  }
0xa8: {  	s4 =	sshll.u32 s28, $0x1;
	[dreg:$0x2] =	wrdreg s2  }
0xa9: {  	[dreg:$0x3] =	wrdreg s4  }
0xaa: {  	[dreg:$0x4] =	wrdreg $0xC0  }
0xab: {  	_ =	task [dreg:s6], $0x5FFFF  }
0xac: {  	[dreg:$0x1] =	wrdreg $0xFFFFFFFF  }
0xad: {  	[dreg:$0x0] =	wrdreg $0x60  }
0xae: {  	[dreg:$0x2] =	wrdreg s24  }
0xaf: {  	[dreg:$0x3] =	wrdreg $0x90000  }
0xb0: {  	[dreg:$0x4] =	wrdreg $0x9  }
0xb1: {  	_ =	task.clear_ibuf [dreg:s6], $0x5FFFF;
	_ =	strace $0x9000004F  }
0xb2: {  	s29 =	simm.s32 $0x9;
	_ =	strace $0x80000051  }
0xb3: {  	_ =	swait.ge [sflag:s29], $0x1  }
0xb4: {  	[sflag:s29] =	ssyncadd.s32 $0xFFFFFFFF  }
0xb5: {  	_ =	strace $0x90000051  }
0xb6: {  	_ =	sfence  }
0xb7: {  	s30 =	sld [smem:$0x0];
	_ =	sdelay $0x2  }
0xb8: {  	s31 =	sshll.u32 s1, $0xD;
	s1 =	sshrl.u32 s1, $0x2  }
0xb9: {  	s3 =	sand.u32 $0x4000, s31;
	s1 =	sadd.s32 s1, s30  }
0xba: {  	s0 =	sor.u32 s3, s0;
	s1 =	sshll.u32 s1, $0x11  }
0xbb: {  	s0 =	sor.u32 s1, s0  }
0xbc: {  	s0 =	sadd.s32 $0x8F2B, s0  }
0xbd: {  	[sflag:s0] =	ssyncadd.remote.s32 $0x1  }
0xbe: {  	_ =	sfence.sel $0xFFFF  }
0xbf: {  	[dreg:$0x0] =	wrdreg $0xFFFFFFFF;
	(pc) =	sbr.abs _section_cstart, $3  }
0xc0: {  	[dreg:$0x1] =	wrdreg $0xFFFFFFFF  }
0xc1: {  	_ =	task.clear_ibuf [dreg:s6], $0x2FFFF;
	_ =	strace $0x9FFFFFFF  }
0xc2: {  	(tm) =	ssettm $0x7FFFFFFF  }
0xc3: {  	_ =	shalt  }
tec
execute0_lowered:
.L_overlay_start_1:
0x0: {  	(tag) =	ssettag $0x1  }
0x1: {  	s1 =	srdreg.scid;
	s5 =	rddreg [dreg:$0x0]  }
0x2: {  	s0 =	stileid.u32;
	s2 =	rddreg [dreg:$0x1];
	s3 =	simm.s32 $0x0  }
0x3: {  	s14 =	simm.s32 $0x80;
	s15 =	simm.s32 $0x5000;
	s16 =	simm.s32 $0x1  }
0x4: {  	s17 =	simm.s32 $0x0;
	s6 =	sand.u32 $0x1, s1;
	s1 =	rddreg [dreg:$0x2]  }
0x5: {  	s26 =	sshll.u32 s0, $0x1;
	[smem:$0x7FF] =	sst s3;
	s8 =	smul.u32 $0x14000, s0  }
0x6: {  	s29 =	smul.u32 $0x50000, s0;
	s31 =	sshll.u32 s0, $0x6;
	s4 =	sor.u32 s6, s26  }
0x7: {  	_ =	strace $0x80000050;
	s9 =	smul.u32 $0x140000, s6;
	s6 =	ssub.s32 $0x2, s6  }
0x8: {  	s7 =	smul.u32 $0x500, s4;
	s4 =	sadd.s32 $0x1AC00, s5;
	s28 =	sshrl.u32 s8, $0x3  }
0x9: {  	s11 =	sshrl.u32 s6, $0x1;
	s30 =	sshrl.u32 s29, $0x2;
	s8 =	sadd.s32 s8, s9  }
0xa: {  	s11 =	ssub.s32 s6, s11;
	s13 =	sadd.s32 s30, s2;
	s6 =	sor.u32 $0x1C02, s31  }
0xb: {  	s10 =	sadd.s32 s7, s5;
	s7 =	sadd.s32 s28, s5;
	s8 =	sshrl.u32 s8, $0x3  }
0xc: {  	s12 =	sadd.s32 s8, s5;
	s5 =	sadd.s32 $0x42C00, s7;
	s7 =	sadd.s32 $0x10C00, s10  }
0xd: {  	s8 =	sadd.s32 $0x6C00, s10;
	s10 =	smax.u32 s11, $0x1;
	s11 =	sshrl.u32 s13, $0x3  }
0xe: {  	s13 =	simm.s32 $0x2800;
	s9 =	sadd.s32 $0x6AC00, s12;
	s12 =	simm.s32 $0x2  }
.LBB2_1:
0xf: {  	[spmem:s11], [sflag:s6] =	dma.local [hbm:s5], $0x2800  }
0x10: {  	_ =	swait.ge [sflag:s12], $0x2800  }
0x11: {  	[sflag:s12] =	ssyncset.done $0x0  }
0x12: {  	[sflag:s12] =	ssyncadd.s32 $0xFFFFD800  }
0x13: {  	[tilespmem:s3], [sflag:$0x2] =	stream.linear.gather [hbm4b:s7+s3], $0x2800, $0x38;
	[tilespmem:$0x1D000] =	vst v63  }
0x14: {  	_ =	swait.ge [sflag:s12], $0x2800  }
0x15: {  	[sflag:s12] =	ssyncset.done $0x0  }
0x16: {  	[sflag:s12] =	ssyncadd.s32 $0xFFFFD800  }
0x17: {  	[tilespmem:s13], [sflag:$0x2] =	stream.linear.gather [hbm4b:s8+s3], $0x2800, $0x38;
	[tilespmem:$0x1D000] =	vst v63  }
0x18: {  	_ =	swait.ge [sflag:s12], $0x2800  }
0x19: {  	[sflag:s12] =	ssyncset.done $0x0  }
0x1a: {  	[sflag:s12] =	ssyncadd.s32 $0xFFFFD800  }
0x1b: {  	s18 =	simm.s32 $0x0;
	[bflag:$0x0] =	sbarrier.arrive $0xFFFF  }
0x1c: {  	[tilespmem:s15], [sflag:$0x1] =	stream.indirect.gather [hbm4b:s4+s14], $0x80, s18, s14, $0xb8;
	[tilespmem:$0x1D000] =	vst v63  }
0x1d: {  	_ =	swait.ge [sflag:s16], $0x4000  }
0x1e: {  	[sflag:s16] =	ssyncset.done $0x0  }
0x1f: {  	s31 =	simm.s32 $0x2800;
	[sflag:s16] =	ssyncadd.s32 $0xFFFFC000  }
0x20: {  	[spmem:s2] =	stream.indirect.scatter.add.f32 [tilespmem:s15], [sflag:$0x2], $0x80, s31, s14, $0xb8;
	[tilespmem:$0x1D000] =	vst v63  }
0x21: {  	_ =	swait.ge [sflag:s12], $0x4000  }
0x22: {  	s19 =	simm.s32 $0x400;
	s18 =	simm.s32 $0x200;
	[sflag:s12] =	ssyncset.done $0x0  }
.LBB2_2:
0x23: {  	s20 =	sshra.s32 s18, $0x2  }
0x24: {  	[sflag:s12] =	ssyncadd.s32 $0xFFFFC000;
	s18 =	smov.u32 s19;
	s21 =	sadd.s32 $0x200, s19  }
0x25: {  	[tilespmem:s15], [sflag:$0x1] =	stream.indirect.gather [hbm4b:s4+s14], $0x80, s20, s14, $0xb8;
	[tilespmem:$0x1D000] =	vst v63  }
0x26: {  	p0 =	sne.s32 s19, $0x9E00;
	_ =	swait.ge [sflag:s16], $0x4000  }
.Ltmp0:
0x27: {  	[sflag:s16] =	ssyncset.done $0x0;
	(pc) =	sbr.rel @p0 .LBB2_2-.Ltmp0, $4  }
0x28: {  	s19 =	sadd.s32 $0x2800, s20;
	[sflag:s16] =	ssyncadd.s32 $0xFFFFC000  }
0x29: {  	[spmem:s2] =	stream.indirect.scatter.add.f32 [tilespmem:s15], [sflag:$0x2], $0x80, s19, s14, $0xb8;
	[tilespmem:$0x1D000] =	vst v63  }
0x2a: {  	_ =	swait.ge [sflag:s12], $0x4000  }
0x2b: {  	s19 =	smov.u32 s21;
	[sflag:s12] =	ssyncset.done $0x0  }
0x2c: {  	s18 =	sshra.s32 s18, $0x2;
	[sflag:s12] =	ssyncadd.s32 $0xFFFFC000  }
0x2d: {  	[tilespmem:s15], [sflag:$0x1] =	stream.indirect.gather [hbm4b:s4+s14], $0x80, s18, s14, $0xb8;
	[tilespmem:$0x1D000] =	vst v63  }
0x2e: {  	_ =	swait.ge [sflag:s16], $0x4000  }
0x2f: {  	[sflag:s16] =	ssyncset.done $0x0  }
0x30: {  	s18 =	sadd.s32 $0x2800, s18;
	[sflag:s16] =	ssyncadd.s32 $0xFFFFC000  }
0x31: {  	[spmem:s2] =	stream.indirect.scatter.add.f32 [tilespmem:s15], [sflag:$0x2], $0x80, s18, s14, $0xb8;
	[tilespmem:$0x1D000] =	vst v63  }
0x32: {  	_ =	swait.ge [sflag:s12], $0x4000  }
0x33: {  	s17 =	sadd.s32 $0x1, s17;
	[sflag:s12] =	ssyncset.done $0x0  }
0x34: {  	p0 =	sne.s32 s17, s10;
	[sflag:s12] =	ssyncadd.s32 $0xFFFFC000  }
.Ltmp1:
0x35: {  	[bflag:$0x0] =	sbarrier.arrive $0xFFFF;
	(pc) =	sbr.rel @p0 .LBB2_1-.Ltmp1, $4  }
0x36: {  	[hbm:s9], [sflag:s6] =	dma.local [spmem:s11], $0x2800  }
0x37: {  	_ =	swait.ge [sflag:s12], $0x2800  }
0x38: {  	[sflag:s12] =	ssyncset.done $0x0  }
0x39: {  	[sflag:s12] =	ssyncadd.s32 $0xFFFFD800  }
0x3a: {  	_ =	sfence.sel $0x180000  }
0x3b: {  	[bflag:$0x0] =	sbarrier.arrive $0xFFFF  }
0x3c: {  	p0 =	sne.s32 s0, $0x0;
	_ =	strace $0x90000050  }
0x3d: {  	s0 =	sadd.s32 @!p0 $0x100000, s1;
	[bflag:$0x2] =	sbarrier.arrive $0xFFFF  }
0x3e: {  	[sflag:s0] =	ssyncadd.tile.s32 @!p0 $0x1;
	_ =	shalt  }
.Lfunc_end2:
_tile_overlayer_lowered:
.L_overlay_start_2:
0x3f: {  	(tag) =	ssettag $0x2  }
0x40: {  	s0 =	rddreg [dreg:$0x0];
	s2 =	stileid.u32  }
0x41: {  	s1 =	rddreg [dreg:$0x1];
	p0 =	sne.s32 s2, $0x0  }
0x42: {  	s3 =	rddreg [dreg:$0x2];
	[bflag:$0x3] =	sbarrier.arrive $0xFFFF;
	s2 =	simm.s32 @!p0 $0x1C02  }
0x43: {  	[timem:s3], [sflag:s2] =	dma.local @!p0 [hbm:s0], s1  }
0x44: {  	s0 =	simm.s32 @!p0 $0x2  }
0x45: {  	_ =	swait.ge @!p0 [sflag:s0], s1  }
0x46: {  	s1 =	ssub.s32 @!p0 $0x0, s1;
	[sflag:s0] =	ssyncset.done @!p0 $0x0  }
0x47: {  	[sflag:s0] =	ssyncadd.s32 @!p0 s1  }
0x48: {  	[bflag:$0x3] =	sbarrier.arrive $0xFFFF  }
0x49: {  	_ =	shalt  }

// kernel: kernel.24.cloned.1.call-start
scs
__scs_entry_jumppad:
0x0: {  	(pc) =	sbr.rel $0x88, $3  }
0x1: {  	(tag) =	ssettag $0x0;
	lr =	simm.s32 $0x1  }
0x2: {  	[smem:$0x3F84] =	sst lr;
	_ =	strace $0xD0000000  }
0x3: {  	_ = 	snop  }
0x4: {  	_ = 	snop  }
0x5: {  	_ = 	snop  }
0x6: {  	_ = 	snop  }
0x7: {  	_ = 	snop  }
__scs_overlays_trampoline_lowered:
0x8: {  	[smem:$0x3F93] =	sst s0  }
0x9: {  	[smem:$0x3F94] =	sst s1  }
0xa: {  	[smem:$0x3F95] =	sst s2  }
0xb: {  	[smem:$0x3F96] =	sst s3  }
0xc: {  	[smem:$0x3F97] =	sst s4  }
0xd: {  	[smem:$0x3F98] =	sst s5  }
0xe: {  	[smem:$0x3F99] =	sst s6  }
0xf: {  	[smem:$0x3F9A] =	sst s7  }
0x10: {  	[smem:$0x3F9B] =	sst s8  }
0x11: {  	[smem:$0x3F9C] =	sst s9;
	s0 =	simm.s32 @!p0 $0x0  }
0x12: {  	s1 =	sld [smem:$0x3F82];
	s0 =	simm.s32 @p0 $0x1  }
0x13: {  	[smem:$0x3F9D] =	sst s0;
	s0 =	simm.s32 @!p1 $0x0  }
0x14: {  	s2 =	sld [smem:$0x3F81];
	s0 =	simm.s32 @p1 $0x1  }
0x15: {  	[smem:$0x3F9E] =	sst s0;
	s0 =	simm.s32 @!p2 $0x0  }
0x16: {  	s3 =	sld [smem:$0x3FDB];
	s0 =	simm.s32 @p2 $0x1  }
0x17: {  	s4 =	simm.s32 $0x1BF5;
	[smem:$0x3FA0] =	sst s0  }
0x18: {  	s0 =	sld [smem:$0x3F83];
	_ =	swait.ge [sflag:s4], $0x0  }
0x19: {  	s7 =	sld [smem:$0x3F84]  }
0x1a: {  	s8 =	sadd.s32 $0xFFFFE003, lr  }
0x1b: {  	s9 =	sadd.s32 $0xFFFFFEF7, lr;
	s5 =	simm.s32 $0xFFFFFFFF;
	p2 =	slt.u32 s8, $0xFFFFF086  }
0x1c: {  	p1 =	slt.u32 s9, $0xF7A;
	s5 =	simm.s32 @!p2 $0x0  }
0x1d: {  	s5 =	simm.s32 @p1 $0x1;
	p0 =	seq.s32 s7, s2  }
0x1e: {  	s7 =	smul.u32 @!p0 $0xF7A, s2;
	p2 =	seq.s32 @!p0 s5, $0x0  }
0x1f: {  	s9 =	smul.u32 $0xF7A, s1;
	s8 =	simm.s32 @!p0 $0x1BF5;
	p2 =	por !p2, p0  }
0x20: {  	[sflag:s8] =	ssyncset.s32 @!p0 $0xFFFFF086;
	s6 =	sadd.s32 @!p0 s3, s7;
	s7 =	simm.s32 @!p0 $0x108  }
0x21: {  	s3 =	sadd.s32 s3, s9;
	s6 =	sadd.s32 @!p0 $0x88, s6;
	s7 =	simm.s32 @p2 $0x1082  }
0x22: {  	[simem:s7], [sflag:s8] =	dma.local @!p0 [hbm:s6], $0xF7A  }
0x23: {  	s9 =	sor.u32 $0xD0000000, s2;
	s6 =	simm.s32 $0x108;
	_ =	swait.ge @!p0 [sflag:s8], $0x0  }
0x24: {  	s3 =	sadd.s32 $0x88, s3;
	s6 =	simm.s32 @!p1 $0x1082;
	[sflag:s4] =	ssyncset.s32 $0xFFFFF086  }
0x25: {  	[simem:s6], [sflag:s4] =	dma.local [hbm:s3], $0xF7A  }
0x26: {  	[smem:$0x3F84] =	sst s1;
	(tag) =	ssettag s2;
	_ =	strace s9  }
0x27: {  	s1 =	sld [smem:$0x3F94]  }
0x28: {  	s2 =	sld [smem:$0x3F95]  }
0x29: {  	s4 =	sld [smem:$0x3F97]  }
0x2a: {  	p0 =	seq.s32 s5, $0x0;
	s5 =	sld [smem:$0x3F98]  }
0x2b: {  	s6 =	sld [smem:$0x3F99]  }
0x2c: {  	s7 =	sld [smem:$0x3F9A]  }
0x2d: {  	s3 =	simm.s32 $0x108;
	s8 =	sld [smem:$0x3F9B]  }
0x2e: {  	s3 =	simm.s32 @!p0 $0x1082;
	s9 =	sld [smem:$0x3F9C]  }
0x2f: {  	lr =	sadd.s32 s0, s3;
	s0 =	sld [smem:$0x3F93]  }
0x30: {  	s3 =	sld [smem:$0x3F96]  }
0x31: {  	[smem:$0x3F9F] =	sst s10  }
0x32: {  	s10 =	sld [smem:$0x3F9D];
	_ =	sdelay $0x3  }
0x33: {  	p0 =	seq.s32 s10, $0x1;
	s10 =	sld [smem:$0x3F9F];
	_ =	sdelay $0x3  }
0x34: {  	[smem:$0x3F9F] =	sst s10  }
0x35: {  	s10 =	sld [smem:$0x3F9E];
	_ =	sdelay $0x3  }
0x36: {  	p1 =	seq.s32 s10, $0x1;
	s10 =	sld [smem:$0x3F9F];
	_ =	sdelay $0x3  }
0x37: {  	[smem:$0x3F9F] =	sst s10  }
0x38: {  	s10 =	sld [smem:$0x3FA0]  }
0x39: {  	_ = 	snop;
	(pc) =	sbr.ind lr, $3  }
0x3a: {  	_ = 	snop  }
0x3b: {  	_ = 	snop  }
0x3c: {  	p2 =	seq.s32 s10, $0x1;
	s10 =	sld [smem:$0x3F9F]  }
0x3d: {  	_ =	shalt  }
0x3e: {  	_ =	shalt  }
0x3f: {  	_ =	shalt  }
0x40: {  	_ =	shalt  }
0x41: {  	_ =	shalt  }
0x42: {  	_ =	shalt  }
0x43: {  	_ =	shalt  }
0x44: {  	_ =	shalt  }
0x45: {  	_ =	shalt  }
0x46: {  	_ =	shalt  }
0x47: {  	_ =	shalt  }
0x48: {  	_ =	shalt  }
0x49: {  	_ =	shalt  }
0x4a: {  	_ =	shalt  }
0x4b: {  	_ =	shalt  }
0x4c: {  	_ =	shalt  }
0x4d: {  	_ =	shalt  }
0x4e: {  	_ =	shalt  }
0x4f: {  	_ =	shalt  }
0x50: {  	_ =	shalt  }
0x51: {  	_ =	shalt  }
0x52: {  	_ =	shalt  }
0x53: {  	_ =	shalt  }
0x54: {  	_ =	shalt  }
0x55: {  	_ =	shalt  }
0x56: {  	_ =	shalt  }
0x57: {  	_ =	shalt  }
0x58: {  	_ =	shalt  }
0x59: {  	_ =	shalt  }
0x5a: {  	_ =	shalt  }
0x5b: {  	_ =	shalt  }
0x5c: {  	_ =	shalt  }
0x5d: {  	_ =	shalt  }
0x5e: {  	_ =	shalt  }
0x5f: {  	_ =	shalt  }
0x60: {  	_ =	shalt  }
0x61: {  	_ =	shalt  }
0x62: {  	_ =	shalt  }
0x63: {  	_ =	shalt  }
0x64: {  	_ =	shalt  }
0x65: {  	_ =	shalt  }
0x66: {  	_ =	shalt  }
0x67: {  	_ =	shalt  }
0x68: {  	_ =	shalt  }
0x69: {  	_ =	shalt  }
0x6a: {  	_ =	shalt  }
0x6b: {  	_ =	shalt  }
0x6c: {  	_ =	shalt  }
0x6d: {  	_ =	shalt  }
0x6e: {  	_ =	shalt  }
0x6f: {  	_ =	shalt  }
0x70: {  	_ =	shalt  }
0x71: {  	_ =	shalt  }
0x72: {  	_ =	shalt  }
0x73: {  	_ =	shalt  }
0x74: {  	_ =	shalt  }
0x75: {  	_ =	shalt  }
0x76: {  	_ =	shalt  }
0x77: {  	_ =	shalt  }
0x78: {  	_ =	shalt  }
0x79: {  	_ =	shalt  }
0x7a: {  	_ =	shalt  }
0x7b: {  	_ =	shalt  }
0x7c: {  	_ =	shalt  }
0x7d: {  	_ =	shalt  }
0x7e: {  	_ =	shalt  }
0x7f: {  	_ =	shalt  }
0x80: {  	_ =	shalt  }
0x81: {  	_ =	shalt  }
0x82: {  	_ =	shalt  }
0x83: {  	_ =	shalt  }
0x84: {  	_ =	shalt  }
0x85: {  	_ =	shalt  }
0x86: {  	_ =	shalt  }
0x87: {  	_ =	shalt  }
.Lfunc_end0:
.L_simem_size_0:
called_computation.4_lowered:
.L_overlay_start_0:
0x88: {  	s2 =	sld [smem:$0x3FD9]  }
0x89: {  	s3 =	sld [smem:$0x3FFE];
	_ =	sdelay $0x1  }
0x8a: {  	s1 =	srdreg.scid  }
0x8b: {  	s0 =	sand.u32 $0x1, s1  }
0x8c: {  	s16 =	sshll.u32 s0, $0xA;
	s2 =	sadd.s32 s3, s2  }
0x8d: {  	s2 =	sadd.s32 s2, s16  }
0x8e: {  	[smem:$0x3FAB] =	sst s2  }
0x8f: {  	_ = 	snop  }
0x90: {  	(tm) =	ssettm $0x1  }
0x91: {  	s17 =	sld [smem:$0x3FFB];
	_ =	sdelay $0x3  }
0x92: {  	_ =	strace s17  }
0x93: {  	s2 =	sld [smem:$0x3FFC];
	_ =	sdelay $0x3  }
0x94: {  	_ =	strace s2  }
0x95: {  	s2 =	sld [smem:$0x3FFD];
	_ =	sdelay $0x3  }
0x96: {  	_ =	strace s2  }
0x97: {  	_ =	strace $0x8FFFFFFF  }
0x98: {  	s18 =	sld [smem:$0x3FDB];
	_ =	sdelay $0x1  }
0x99: {  	s19 =	simm.s32 $_scs_section_size  }
0x9a: {  	s4 =	simm.s32 $_size__tile_overlayer_lowered;
	s5 =	simm.s32 $_tile_overlayer_lowered  }
0x9b: {  	s22 =	simm.s32 $0x1BFF;
	s21 =	sshll.u32 s5, $0x1;
	s2 =	sadd.s32 s19, s18  }
0x9c: {  	s6 =	simm.s32 $0x0;
	s20 =	sshll.u32 s4, $0x1;
	s4 =	sadd.s32 s21, s2  }
0x9d: {  	[timem:s6], [sflag:s22] =	dma.local [hbm:s4], s20  }
0x9e: {  	_ =	swait.ge [sflag:s22], s20  }
0x9f: {  	s3 =	ssub.s32 $0x0, s20;
	[sflag:s22] =	ssyncset.done $0x0  }
0xa0: {  	[sflag:s22] =	ssyncadd.s32 s3;
	_ =	sdelay $0x1  }
0xa1: {  	s23 =	simm.s32 $0x1B8B  }
0xa2: {  	_ =	swait.ge [sflag:s23], $0x1  }
0xa3: {  	[sflag:s23] =	ssyncset.done $0x0  }
0xa4: {  	s25 =	simm.s32 $0x1B8E;
	s24 =	sld [smem:$0x3FFE];
	[sflag:s23] =	ssyncadd.s32 $0xFFFFFFFF  }
0xa5: {  	s26 =	simm.s32 $execute0_lowered;
	[smem:$0x3FD2] =	sst s25  }
0xa6: {  	s4 =	sshll.u32 s26, $0x1;
	_ =	strace $0x80000052;
	[dreg:$0x1] =	wrdreg $0xFFFFFFFF  }
0xa7: {  	s28 =	simm.s32 $_size_execute0_lowered;
	s2 =	sadd.s32 s2, s4;
	[dreg:$0x0] =	wrdreg $0x0  }
0xa8: {  	s4 =	sshll.u32 s28, $0x1;
	[dreg:$0x2] =	wrdreg s2  }
0xa9: {  	[dreg:$0x3] =	wrdreg s4  }
0xaa: {  	[dreg:$0x4] =	wrdreg $0xC0  }
0xab: {  	_ =	task [dreg:s6], $0x5FFFF  }
0xac: {  	[dreg:$0x1] =	wrdreg $0xFFFFFFFF  }
0xad: {  	[dreg:$0x0] =	wrdreg $0x60  }
0xae: {  	[dreg:$0x2] =	wrdreg s24  }
0xaf: {  	[dreg:$0x3] =	wrdreg $0x90000  }
0xb0: {  	[dreg:$0x4] =	wrdreg $0x9  }
0xb1: {  	_ =	task.clear_ibuf [dreg:s6], $0x5FFFF;
	_ =	strace $0x90000052  }
0xb2: {  	s29 =	simm.s32 $0x9;
	_ =	strace $0x80000054  }
0xb3: {  	_ =	swait.ge [sflag:s29], $0x1  }
0xb4: {  	[sflag:s29] =	ssyncadd.s32 $0xFFFFFFFF  }
0xb5: {  	_ =	strace $0x90000054  }
0xb6: {  	_ =	sfence  }
0xb7: {  	s30 =	sld [smem:$0x0];
	_ =	sdelay $0x2  }
0xb8: {  	s31 =	sshll.u32 s1, $0xD;
	s1 =	sshrl.u32 s1, $0x2  }
0xb9: {  	s3 =	sand.u32 $0x4000, s31;
	s1 =	sadd.s32 s1, s30  }
0xba: {  	s0 =	sor.u32 s3, s0;
	s1 =	sshll.u32 s1, $0x11  }
0xbb: {  	s0 =	sor.u32 s1, s0  }
0xbc: {  	s0 =	sadd.s32 $0x8F2B, s0  }
0xbd: {  	[sflag:s0] =	ssyncadd.remote.s32 $0x1  }
0xbe: {  	_ =	sfence.sel $0xFFFF  }
0xbf: {  	[dreg:$0x0] =	wrdreg $0xFFFFFFFF;
	(pc) =	sbr.abs _section_cstart, $3  }
0xc0: {  	[dreg:$0x1] =	wrdreg $0xFFFFFFFF  }
0xc1: {  	_ =	task.clear_ibuf [dreg:s6], $0x2FFFF;
	_ =	strace $0x9FFFFFFF  }
0xc2: {  	(tm) =	ssettm $0x7FFFFFFF  }
0xc3: {  	_ =	shalt  }
tec
execute0_lowered:
.L_overlay_start_1:
0x0: {  	(tag) =	ssettag $0x1  }
0x1: {  	s1 =	srdreg.scid;
	s5 =	rddreg [dreg:$0x0]  }
0x2: {  	s0 =	stileid.u32;
	s2 =	rddreg [dreg:$0x1];
	s3 =	simm.s32 $0x0  }
0x3: {  	s14 =	simm.s32 $0x80;
	s15 =	simm.s32 $0x5000;
	s16 =	simm.s32 $0x1  }
0x4: {  	s17 =	simm.s32 $0x0;
	s6 =	sand.u32 $0x1, s1;
	s1 =	rddreg [dreg:$0x2]  }
0x5: {  	s26 =	sshll.u32 s0, $0x1;
	[smem:$0x7FF] =	sst s3;
	s8 =	smul.u32 $0x14000, s0  }
0x6: {  	s29 =	smul.u32 $0x50000, s0;
	s31 =	sshll.u32 s0, $0x6;
	s4 =	sor.u32 s6, s26  }
0x7: {  	_ =	strace $0x80000053;
	s9 =	smul.u32 $0x140000, s6;
	s6 =	ssub.s32 $0x2, s6  }
0x8: {  	s7 =	smul.u32 $0x500, s4;
	s4 =	sadd.s32 $0x1AC00, s5;
	s28 =	sshrl.u32 s8, $0x3  }
0x9: {  	s11 =	sshrl.u32 s6, $0x1;
	s30 =	sshrl.u32 s29, $0x2;
	s8 =	sadd.s32 s8, s9  }
0xa: {  	s11 =	ssub.s32 s6, s11;
	s13 =	sadd.s32 s30, s2;
	s6 =	sor.u32 $0x1C02, s31  }
0xb: {  	s10 =	sadd.s32 s7, s5;
	s7 =	sadd.s32 s28, s5;
	s8 =	sshrl.u32 s8, $0x3  }
0xc: {  	s12 =	sadd.s32 s8, s5;
	s5 =	sadd.s32 $0x42C00, s7;
	s7 =	sadd.s32 $0x10C00, s10  }
0xd: {  	s8 =	sadd.s32 $0x6C00, s10;
	s10 =	smax.u32 s11, $0x1;
	s11 =	sshrl.u32 s13, $0x3  }
0xe: {  	s13 =	simm.s32 $0x2800;
	s9 =	sadd.s32 $0x6AC00, s12;
	s12 =	simm.s32 $0x2  }
.LBB2_1:
0xf: {  	[spmem:s11], [sflag:s6] =	dma.local [hbm:s5], $0x2800  }
0x10: {  	_ =	swait.ge [sflag:s12], $0x2800  }
0x11: {  	[sflag:s12] =	ssyncset.done $0x0  }
0x12: {  	[sflag:s12] =	ssyncadd.s32 $0xFFFFD800  }
0x13: {  	[tilespmem:s3], [sflag:$0x2] =	stream.linear.gather [hbm4b:s7+s3], $0x2800, $0x38;
	[tilespmem:$0x1D000] =	vst v63  }
0x14: {  	_ =	swait.ge [sflag:s12], $0x2800  }
0x15: {  	[sflag:s12] =	ssyncset.done $0x0  }
0x16: {  	[sflag:s12] =	ssyncadd.s32 $0xFFFFD800  }
0x17: {  	[tilespmem:s13], [sflag:$0x2] =	stream.linear.gather [hbm4b:s8+s3], $0x2800, $0x38;
	[tilespmem:$0x1D000] =	vst v63  }
0x18: {  	_ =	swait.ge [sflag:s12], $0x2800  }
0x19: {  	[sflag:s12] =	ssyncset.done $0x0  }
0x1a: {  	[sflag:s12] =	ssyncadd.s32 $0xFFFFD800  }
0x1b: {  	s18 =	simm.s32 $0x0;
	[bflag:$0x0] =	sbarrier.arrive $0xFFFF  }
0x1c: {  	[tilespmem:s15], [sflag:$0x1] =	stream.indirect.gather [hbm4b:s4+s14], $0x80, s18, s14, $0xb8;
	[tilespmem:$0x1D000] =	vst v63  }
0x1d: {  	_ =	swait.ge [sflag:s16], $0x4000  }
0x1e: {  	[sflag:s16] =	ssyncset.done $0x0  }
0x1f: {  	s31 =	simm.s32 $0x2800;
	[sflag:s16] =	ssyncadd.s32 $0xFFFFC000  }
0x20: {  	[spmem:s2] =	stream.indirect.scatter.add.f32 [tilespmem:s15], [sflag:$0x2], $0x80, s31, s14, $0xb8;
	[tilespmem:$0x1D000] =	vst v63  }
0x21: {  	_ =	swait.ge [sflag:s12], $0x4000  }
0x22: {  	s19 =	simm.s32 $0x400;
	s18 =	simm.s32 $0x200;
	[sflag:s12] =	ssyncset.done $0x0  }
.LBB2_2:
0x23: {  	s20 =	sshra.s32 s18, $0x2  }
0x24: {  	[sflag:s12] =	ssyncadd.s32 $0xFFFFC000;
	s18 =	smov.u32 s19;
	s21 =	sadd.s32 $0x200, s19  }
0x25: {  	[tilespmem:s15], [sflag:$0x1] =	stream.indirect.gather [hbm4b:s4+s14], $0x80, s20, s14, $0xb8;
	[tilespmem:$0x1D000] =	vst v63  }
0x26: {  	p0 =	sne.s32 s19, $0x9E00;
	_ =	swait.ge [sflag:s16], $0x4000  }
.Ltmp0:
0x27: {  	[sflag:s16] =	ssyncset.done $0x0;
	(pc) =	sbr.rel @p0 .LBB2_2-.Ltmp0, $4  }
0x28: {  	s19 =	sadd.s32 $0x2800, s20;
	[sflag:s16] =	ssyncadd.s32 $0xFFFFC000  }
0x29: {  	[spmem:s2] =	stream.indirect.scatter.add.f32 [tilespmem:s15], [sflag:$0x2], $0x80, s19, s14, $0xb8;
	[tilespmem:$0x1D000] =	vst v63  }
0x2a: {  	_ =	swait.ge [sflag:s12], $0x4000  }
0x2b: {  	s19 =	smov.u32 s21;
	[sflag:s12] =	ssyncset.done $0x0  }
0x2c: {  	s18 =	sshra.s32 s18, $0x2;
	[sflag:s12] =	ssyncadd.s32 $0xFFFFC000  }
0x2d: {  	[tilespmem:s15], [sflag:$0x1] =	stream.indirect.gather [hbm4b:s4+s14], $0x80, s18, s14, $0xb8;
	[tilespmem:$0x1D000] =	vst v63  }
0x2e: {  	_ =	swait.ge [sflag:s16], $0x4000  }
0x2f: {  	[sflag:s16] =	ssyncset.done $0x0  }
0x30: {  	s18 =	sadd.s32 $0x2800, s18;
	[sflag:s16] =	ssyncadd.s32 $0xFFFFC000  }
0x31: {  	[spmem:s2] =	stream.indirect.scatter.add.f32 [tilespmem:s15], [sflag:$0x2], $0x80, s18, s14, $0xb8;
	[tilespmem:$0x1D000] =	vst v63  }
0x32: {  	_ =	swait.ge [sflag:s12], $0x4000  }
0x33: {  	s17 =	sadd.s32 $0x1, s17;
	[sflag:s12] =	ssyncset.done $0x0  }
0x34: {  	p0 =	sne.s32 s17, s10;
	[sflag:s12] =	ssyncadd.s32 $0xFFFFC000  }
.Ltmp1:
0x35: {  	[bflag:$0x0] =	sbarrier.arrive $0xFFFF;
	(pc) =	sbr.rel @p0 .LBB2_1-.Ltmp1, $4  }
0x36: {  	[hbm:s9], [sflag:s6] =	dma.local [spmem:s11], $0x2800  }
0x37: {  	_ =	swait.ge [sflag:s12], $0x2800  }
0x38: {  	[sflag:s12] =	ssyncset.done $0x0  }
0x39: {  	[sflag:s12] =	ssyncadd.s32 $0xFFFFD800  }
0x3a: {  	_ =	sfence.sel $0x180000  }
0x3b: {  	[bflag:$0x0] =	sbarrier.arrive $0xFFFF  }
0x3c: {  	p0 =	sne.s32 s0, $0x0;
	_ =	strace $0x90000053  }
0x3d: {  	s0 =	sadd.s32 @!p0 $0x100000, s1;
	[bflag:$0x2] =	sbarrier.arrive $0xFFFF  }
0x3e: {  	[sflag:s0] =	ssyncadd.tile.s32 @!p0 $0x1;
	_ =	shalt  }
.Lfunc_end2:
_tile_overlayer_lowered:
.L_overlay_start_2:
0x3f: {  	(tag) =	ssettag $0x2  }
0x40: {  	s0 =	rddreg [dreg:$0x0];
	s2 =	stileid.u32  }
0x41: {  	s1 =	rddreg [dreg:$0x1];
	p0 =	sne.s32 s2, $0x0  }
0x42: {  	s3 =	rddreg [dreg:$0x2];
	[bflag:$0x3] =	sbarrier.arrive $0xFFFF;
	s2 =	simm.s32 @!p0 $0x1C02  }
0x43: {  	[timem:s3], [sflag:s2] =	dma.local @!p0 [hbm:s0], s1  }
0x44: {  	s0 =	simm.s32 @!p0 $0x2  }
0x45: {  	_ =	swait.ge @!p0 [sflag:s0], s1  }
0x46: {  	s1 =	ssub.s32 @!p0 $0x0, s1;
	[sflag:s0] =	ssyncset.done @!p0 $0x0  }
0x47: {  	[sflag:s0] =	ssyncadd.s32 @!p0 s1  }
0x48: {  	[bflag:$0x3] =	sbarrier.arrive $0xFFFF  }
0x49: {  	_ =	shalt  }

</sc_bundles>
